<compile_context>
chip_gen: v7x
topology: tpu7x:2x2x1
jax: 0.10.2.dev20260603
libtpu: 0.0.44.dev20260713+nightly
codegen_flags: <defaults>
</compile_context>

<pallas_src>
import functools

import jax
import jax.numpy as jnp
from jax import lax
from jax.experimental import pallas as pl
from jax.experimental.pallas import tpu as pltpu
from jax.experimental.pallas import tpu_sc as plsc

N = 10000
D = 256
H = 128
HP = 128
G = 64
E = 160000
VOCAB = 10000
N_AST = 6000
N_STMT = 4000

NP = 10240
RXA = NP // 16
NACC = 10112
STRIPE = NACC // 16
EC = 128
ECH = 79
EPT = EC * ECH
EPAD = 16 * EPT

RB = 1000
NBLK = N // RB
SB = 1000
SBLK = N_STMT // SB

_NEG = -1e30


def _dot(a, b):
    return jax.lax.dot_general(a, b, (((1,), (0,)), ((), ())),
                               preferred_element_type=jnp.float32)


def _dot_t(a, b):
    return jax.lax.dot_general(a, b, (((0,), (0,)), ((), ())),
                               preferred_element_type=jnp.float32)



def _stmt_body(sf_ref, w_ref, b_ref, out_ref):
    out_ref[...] = jnp.tanh(_dot(sf_ref[...], w_ref[...]) + b_ref[...])


def _stmt_encode(stmt_feats, w, b):
    return pl.pallas_call(
        _stmt_body,
        grid=(SBLK,),
        in_specs=[
            pl.BlockSpec((SB, D), lambda i: (i, 0)),
            pl.BlockSpec((D, D), lambda i: (0, 0)),
            pl.BlockSpec((1, D), lambda i: (0, 0)),
        ],
        out_specs=pl.BlockSpec((SB, D), lambda i: (i, 0)),
        out_shape=jax.ShapeDtypeStruct((N_STMT, D), jnp.float32),
        compiler_params=pltpu.CompilerParams(
            dimension_semantics=("arbitrary",)),
    )(stmt_feats, w, b.reshape(1, D))



_SC_MESH = plsc.VectorSubcoreMesh(core_axis_name="c", subcore_axis_name="s")

RA = NP // 32


def _xgather_body(t2_hbm, order_hbm, ast_hbm, x_out_hbm,
                  gbuf, gbuf2, abuf, rows_l, rows_r, sem):
    c = lax.axis_index("c")
    s = lax.axis_index("s")
    t = s * 2 + c
    base = t * RA

    pltpu.sync_copy(order_hbm.at[pl.ds(base, RA)], gbuf)
    pltpu.sync_copy(ast_hbm, abuf)

    def g_step(k, _):
        o = gbuf[pl.ds(k * 16, 16)]
        m = o < N_AST
        a = plsc.load_gather(abuf, [jnp.where(m, o, 0)])
        g = jnp.where(m, a, VOCAB + o - N_AST)
        gbuf[pl.ds(k * 16, 16)] = g
        gbuf2[pl.ds(k * 16, 16)] = g + (VOCAB + N_STMT)
        return 0

    lax.fori_loop(0, RA // 16, g_step, 0)

    for off, sz in ((0, 128), (128, 128), (256, 64)):
        pltpu.async_copy(t2_hbm.at[gbuf.at[pl.ds(off, sz)]],
                         rows_l.at[pl.ds(0, sz)], sem).wait()
        pltpu.sync_copy(rows_l.at[pl.ds(0, sz)],
                        x_out_hbm.at[pl.ds(base + off, sz)])
        pltpu.async_copy(t2_hbm.at[gbuf2.at[pl.ds(off, sz)]],
                         rows_r.at[pl.ds(0, sz)], sem).wait()
        pltpu.sync_copy(rows_r.at[pl.ds(0, sz)],
                        x_out_hbm.at[pl.ds(NP + base + off, sz)])


def _xgather(t2, order_p, ast_idx):
    return pl.kernel(
        _xgather_body,
        out_type=jax.ShapeDtypeStruct((2 * NP, HP), jnp.float32),
        mesh=_SC_MESH,
        scratch_types=[
            pltpu.VMEM((RA,), jnp.int32),
            pltpu.VMEM((RA,), jnp.int32),
            pltpu.VMEM((N_AST,), jnp.int32),
            pltpu.VMEM((128, HP), jnp.float32),
            pltpu.VMEM((128, HP), jnp.float32),
            pltpu.SemaphoreType.DMA,
        ],
        compiler_params=pltpu.CompilerParams(needs_layout_passes=False),
    )(t2, order_p, ast_idx)



def _edge_body(x2_hbm, src2_hbm, dst3_hbm, zz_hbm, s_out_hbm,
               srcbuf, dstbuf, rows, acc, sem):
    c = lax.axis_index("c")
    s = lax.axis_index("s")

    pltpu.sync_copy(zz_hbm, acc.at[pl.ds(s * STRIPE, STRIPE)])
    pltpu.sync_copy(src2_hbm.at[c, pl.ds(s * EPT, EPT)], srcbuf)
    pltpu.sync_copy(dst3_hbm.at[s], dstbuf)

    plsc.subcore_barrier()

    def chunk_step(j, _):
        idx = srcbuf.at[pl.ds(j * EC, EC)]
        pltpu.async_copy(x2_hbm.at[idx], rows, sem).wait()
        pltpu.sync_copy(rows, acc.at[dstbuf.at[j]], add=True)
        return 0

    lax.fori_loop(0, ECH, chunk_step, 0)

    plsc.subcore_barrier()

    pltpu.sync_copy(acc.at[pl.ds(s * STRIPE, STRIPE)],
                    s_out_hbm.at[c, pl.ds(s * STRIPE, STRIPE)])


def _edge_segsum(x2, src2, dst3, zz):
    return pl.kernel(
        _edge_body,
        out_type=jax.ShapeDtypeStruct((2, NACC, HP), jnp.float32),
        mesh=_SC_MESH,
        scratch_types=[
            pltpu.VMEM((EPT,), jnp.int32),
            pltpu.VMEM((ECH, EC), jnp.int32),
            pltpu.VMEM((EC, HP), jnp.float32),
            pltpu.VMEM_SHARED((NACC, HP), jnp.float32),
            pltpu.SemaphoreType.DMA,
        ],
    )(x2, src2, dst3, zz)



def _h_body(xl_ref, xr_ref, sl_ref, sr_ref, deg_ref, lst_ref, wself_ref,
            wmsg_ref, h_ref, q_ref, qacc):
    i = pl.program_id(0)

    @pl.when(i == 0)
    def _():
        qacc[...] = jnp.zeros_like(qacc)

    xl = xl_ref[0]
    xr = xr_ref[0]
    sl = sl_ref[0]
    sr = sr_ref[0]
    inv = 1.0 / jnp.clip(deg_ref[...], 1.0, None)
    ws = wself_ref[...]
    wm = wmsg_ref[...]
    agg = (_dot(sl, wm[:H, :]) + _dot(sr, wm[H:, :])) * inv
    h = jax.nn.relu(_dot(xl, ws[:H, :]) + _dot(xr, ws[H:, :]) + agg)
    h_ref[...] = h

    rows = jax.lax.broadcasted_iota(jnp.int32, (RB, G), 0) + i * RB
    onehot = (rows == lst_ref[...]).astype(jnp.float32)
    qacc[...] += _dot_t(onehot, h)

    @pl.when(i == NBLK - 1)
    def _():
        q_ref[...] = qacc[...]


def _h_and_q(x_stack, s_stack, deg_col, last_stmts, w_self, w_msg):
    return pl.pallas_call(
        _h_body,
        grid=(NBLK,),
        in_specs=[
            pl.BlockSpec((1, RB, HP), lambda i: (0, i, 0)),
            pl.BlockSpec((1, RB, HP), lambda i: (1, i, 0)),
            pl.BlockSpec((1, RB, HP), lambda i: (0, i, 0)),
            pl.BlockSpec((1, RB, HP), lambda i: (1, i, 0)),
            pl.BlockSpec((RB, 1), lambda i: (i, 0)),
            pl.BlockSpec((1, G), lambda i: (0, 0)),
            pl.BlockSpec((D, D), lambda i: (0, 0)),
            pl.BlockSpec((D, D), lambda i: (0, 0)),
        ],
        out_specs=[
            pl.BlockSpec((RB, D), lambda i: (i, 0)),
            pl.BlockSpec((G, D), lambda i: (0, 0)),
        ],
        out_shape=[
            jax.ShapeDtypeStruct((N, D), jnp.float32),
            jax.ShapeDtypeStruct((G, D), jnp.float32),
        ],
        scratch_shapes=[pltpu.VMEM((G, D), jnp.float32)],
        compiler_params=pltpu.CompilerParams(
            dimension_semantics=("arbitrary",)),
    )(x_stack, x_stack, s_stack, s_stack, deg_col,
      last_stmts.reshape(1, G).astype(jnp.int32), w_self, w_msg)



def _pool_body(h_ref, q_ref, gid_ref, wproj_ref, bproj_ref, wlab_ref,
               blab_ref, y_ref, m_sc, den_sc, num_sc):
    i = pl.program_id(0)

    @pl.when(i == 0)
    def _():
        m_sc[...] = jnp.full_like(m_sc, _NEG)
        den_sc[...] = jnp.zeros_like(den_sc)
        num_sc[...] = jnp.zeros_like(num_sc)

    h = h_ref[...]
    cols = jax.lax.broadcasted_iota(jnp.int32, (RB, G), 1)
    onehot = (cols == gid_ref[...]).astype(jnp.float32)
    qexp = _dot(onehot, q_ref[...])
    s = jnp.sum(h * qexp, axis=1, keepdims=True) / 16.0
    s_masked = jnp.where(onehot > 0.0, s, _NEG)
    blk_max = jnp.max(s_masked, axis=0, keepdims=True)
    m_old = m_sc[...]
    m_new = jnp.maximum(m_old, blk_max)
    scale = jnp.exp(m_old - m_new)
    p = jnp.exp(jnp.where(onehot > 0.0, s - m_new, _NEG))
    den_sc[...] = den_sc[...] * scale + jnp.sum(p, axis=0, keepdims=True)
    num_sc[...] = num_sc[...] * scale + _dot_t(h, p)
    m_sc[...] = m_new

    @pl.when(i == NBLK - 1)
    def _():
        zt = _dot_t(wproj_ref[...], num_sc[...] / den_sc[...]) + bproj_ref[...]
        dist = jnp.abs(zt[:, :G // 2] - zt[:, G // 2:])
        y = _dot_t(wlab_ref[...], dist) + blab_ref[...]
        y_ref[...] = jax.nn.sigmoid(y)


def _pool_head(h, q, gid_col, w_proj, b_proj, w_label, b_label):
    return pl.pallas_call(
        _pool_body,
        grid=(NBLK,),
        in_specs=[
            pl.BlockSpec((RB, D), lambda i: (i, 0)),
            pl.BlockSpec((G, D), lambda i: (0, 0)),
            pl.BlockSpec((RB, 1), lambda i: (i, 0)),
            pl.BlockSpec((D, D), lambda i: (0, 0)),
            pl.BlockSpec((D, 1), lambda i: (0, 0)),
            pl.BlockSpec((D, 1), lambda i: (0, 0)),
            pl.BlockSpec((1, 1), lambda i: (0, 0)),
        ],
        out_specs=pl.BlockSpec((1, G // 2), lambda i: (0, 0)),
        out_shape=jax.ShapeDtypeStruct((1, G // 2), jnp.float32),
        scratch_shapes=[
            pltpu.VMEM((1, G), jnp.float32),
            pltpu.VMEM((1, G), jnp.float32),
            pltpu.VMEM((D, G), jnp.float32),
        ],
        compiler_params=pltpu.CompilerParams(
            dimension_semantics=("arbitrary",)),
    )(h, q, gid_col, w_proj, b_proj.reshape(D, 1), w_label,
      b_label.reshape(1, 1))



def kernel(ast_node_index, batch_tree_index, stmt_feats, edge_index,
           graph_ids, last_stmts, ast_table, W_tbcnn, b_tbcnn, W_self,
           W_msg, W_proj, b_proj, w_label, b_label):
    ast_node_index = ast_node_index.astype(jnp.int32)
    order = jnp.argsort(jnp.concatenate(
        [ast_node_index, batch_tree_index.astype(jnp.int32)]))
    order_p = jnp.concatenate([order, jnp.zeros((NP - N,), jnp.int32)])

    stmt_emb = _stmt_encode(stmt_feats, W_tbcnn, b_tbcnn)

    t2 = jnp.concatenate([
        ast_table[:, :H], stmt_emb[:, :H],
        ast_table[:, H:], stmt_emb[:, H:],
    ], axis=0)

    src = edge_index[0].astype(jnp.int32)
    dst = edge_index[1].astype(jnp.int32)
    src_p = jnp.concatenate([src, jnp.zeros((EPAD - E,), jnp.int32)])
    src2 = jnp.stack([src_p, src_p + NP])
    dst_p = jnp.concatenate([dst, jnp.full((EPAD - E,), N, jnp.int32)])
    dst3 = dst_p.reshape(16, ECH, EC)
    zz = jnp.zeros((STRIPE, HP), jnp.float32)

    x2 = _xgather(t2, order_p, ast_node_index)
    x_stack = x2.reshape(2, NP, HP)
    s_stack = _edge_segsum(x2, src2, dst3, zz)
    deg = jax.ops.segment_sum(jnp.ones((E,), jnp.float32), dst, num_segments=N)

    h, q = _h_and_q(x_stack, s_stack, deg.reshape(N, 1), last_stmts,
                    W_self, W_msg)
    y = _pool_head(h, q, graph_ids.reshape(N, 1).astype(jnp.int32),
                   W_proj, b_proj, w_label, b_label)
    return y.reshape(G // 2)

# --- scband reference (transcript-rebuilt; emitter-appended) ---
"""Pipeline reference for scband-clone-astnnmodel-83296595739205 (READ-ONLY COPY).

The authoritative reference and input builder live on the scoring server;
editing this copy changes nothing except your own understanding.
"""

import jax, jax.numpy as jnp
import numpy as np

N_AST = 6000
N_STMT = 4000
N = 10000
E = 160000
D = 256
G = 64
VOCAB = 10000


def setup_inputs(seed: int = 0) -> dict:
    key = jax.random.key(seed)
    ks = jax.random.split(key, 16)
    sc = 1.0 / np.sqrt(D)
    inp = {
        'ast_node_index': jax.random.randint(ks[0], (N_AST,), 0, VOCAB),
        'batch_tree_index': jax.random.randint(ks[1], (N_STMT,), 0, VOCAB),
        'stmt_feats': jax.random.normal(ks[2], (N_STMT, D), dtype=jnp.float32),
        'edge_index': jax.random.randint(ks[3], (2, E), 0, N),
        'graph_ids': jnp.sort(jax.random.randint(ks[4], (N,), 0, G)),
        'last_stmts': jax.random.randint(ks[5], (G,), 0, N),
        'ast_table': jax.random.normal(ks[6], (VOCAB, D), dtype=jnp.float32) * sc,
        'W_tbcnn': jax.random.normal(ks[7], (D, D), dtype=jnp.float32) * sc,
        'b_tbcnn': jnp.zeros((D,), dtype=jnp.float32),
        'W_self': jax.random.normal(ks[8], (D, D), dtype=jnp.float32) * sc,
        'W_msg': jax.random.normal(ks[9], (D, D), dtype=jnp.float32) * sc,
        'W_proj': jax.random.normal(ks[10], (D, D), dtype=jnp.float32) * sc,
        'b_proj': jnp.zeros((D,), dtype=jnp.float32),
        'w_label': jax.random.normal(ks[11], (D, 1), dtype=jnp.float32) * sc,
        'b_label': jnp.zeros((1,), dtype=jnp.float32),
    }
    return inp


def reference(ast_node_index, batch_tree_index, stmt_feats, edge_index, graph_ids, last_stmts,
              ast_table, W_tbcnn, b_tbcnn, W_self, W_msg, W_proj, b_proj, w_label, b_label):
    # 1) ast_embedding_layer: embedding lookup (gather)
    ast_emb = jnp.take(ast_table, ast_node_index, axis=0)
    # 2) tbcnn_layer over statement-tree buckets (stand-in: dense encoder of bucket features)
    stmt_emb = jnp.tanh(stmt_feats @ W_tbcnn + b_tbcnn)
    # 3) concat + reorder by argsort(ast_node_index + batch_tree_index) (dgl_format, num_node_types==1)
    emb = jnp.concatenate([ast_emb, stmt_emb], axis=0)
    order = jnp.argsort(jnp.concatenate([ast_node_index, batch_tree_index], axis=0))
    x = emb[order]
    # 4) hgt_graph_layer: one heterogeneous message-passing step (gather at src, scatter-add at dst)
    src = edge_index[0]
    dst = edge_index[1]
    msgs = jnp.take(x, src, axis=0) @ W_msg
    agg = jax.ops.segment_sum(msgs, dst, num_segments=N)
    deg = jax.ops.segment_sum(jnp.ones((E,), dtype=x.dtype), dst, num_segments=N)
    agg = agg / jnp.clip(deg, 1.0, None)[:, None]
    h = jax.nn.relu(x @ W_self + agg)
    # 5) attn_graph_layer: attention-weighted graph pooling, query = last-stmt node embedding per graph
    q = jnp.take(h, last_stmts, axis=0)            # [G, D]
    s = jnp.sum(h * jnp.take(q, graph_ids, axis=0), axis=-1) / jnp.sqrt(jnp.asarray(D, h.dtype))
    smax = jax.ops.segment_max(s, graph_ids, num_segments=G)
    a = jnp.exp(s - jnp.take(smax, graph_ids, axis=0))
    denom = jax.ops.segment_sum(a, graph_ids, num_segments=G)
    a = a / jnp.take(denom, graph_ids, axis=0)
    g = jax.ops.segment_sum(h * a[:, None], graph_ids, num_segments=G)
    # 6) projector (dropout in eval mode = identity) + pairwise clone head
    z = g @ W_proj + b_proj
    bsz = G // 2
    vec1 = z[:bsz]
    vec2 = z[bsz:]
    abs_dist = jnp.abs(vec1 - vec2)
    y = jax.nn.sigmoid(abs_dist @ w_label + b_label)
    return jnp.squeeze(y, axis=1)

if __name__ == "__main__":
    import jax
    _d = setup_inputs()
    print(jax.jit(kernel)(*tuple(_d.values())))

</pallas_src>

<mosaic_0001>
#map = affine_map<(d0, d1) -> (0, 0)>
#map1 = affine_map<(d0, d1) -> (0)>
module attributes {stable_mosaic.version = 14 : i64} {
  func.func @_xgather_body(%arg0: i32, %arg1: i32, %arg2: memref<28000x128xf32, #tpu.memory_space<hbm>>, %arg3: memref<10240xi32, #tpu.memory_space<hbm>>, %arg4: memref<6000xi32, #tpu.memory_space<hbm>>, %arg5: memref<20480x128xf32, #tpu.memory_space<hbm>>, %arg6: memref<320xi32, #tpu.memory_space<vmem>>, %arg7: memref<320xi32, #tpu.memory_space<vmem>>, %arg8: memref<6000xi32, #tpu.memory_space<vmem>>, %arg9: memref<128x128xf32, #tpu.memory_space<vmem>>, %arg10: memref<128x128xf32, #tpu.memory_space<vmem>>, %arg11: memref<!tpu.dma_semaphore, #tpu.memory_space<semaphore_mem>>) attributes {dimension_semantics = [#tpu.dimension_semantics<core_parallel>, #tpu.dimension_semantics<subcore_parallel>], iteration_bounds = array<i64: 2, 16>, scalar_prefetch = 0 : i64, scratch_operands = 6 : i64, tpu.core_type = #tpu.core_type<sc_vector_subcore>, window_params = [{transform_indices = #map}, {transform_indices = #map1}, {transform_indices = #map1}, {transform_indices = #map}]} {
    %mul3A = arith.constant 2 : i32
    %mul3A_0 = arith.muli %arg1, %mul3A : i32
    %add3A = arith.addi %mul3A_0, %arg0 : i32
    %mul3A_1 = arith.constant 320 : i32
    %mul3A_2 = arith.muli %add3A, %mul3A_1 : i32
    "tpu.region"() ({
      %run_scoped3A = tpu.sem_alloc : memref<!tpu.dma_semaphore, #tpu.memory_space<semaphore_mem>>
      %dma_start3A_121 = tpu.memref_slice %arg3[%mul3A_2] : memref<10240xi32, #tpu.memory_space<hbm>> -> memref<320xi32, #tpu.memory_space<hbm>>
      %dma_start3A_122 = tpu.memref_slice %arg3[%mul3A_2] : memref<10240xi32, #tpu.memory_space<hbm>> -> memref<320xi32, #tpu.memory_space<hbm>>
      tpu.enqueue_dma source(%dma_start3A_122 : memref<320xi32, #tpu.memory_space<hbm>>) target(%arg6 : memref<320xi32, #tpu.memory_space<vmem>>) target_semaphore(%run_scoped3A : memref<!tpu.dma_semaphore, #tpu.memory_space<semaphore_mem>>)
      %dma_wait3A_123 = tpu.memref_slice %arg3[%mul3A_2] : memref<10240xi32, #tpu.memory_space<hbm>> -> memref<320xi32, #tpu.memory_space<hbm>>
      %dma_wait3A_124 = tpu.memref_slice %arg3[%mul3A_2] : memref<10240xi32, #tpu.memory_space<hbm>> -> memref<320xi32, #tpu.memory_space<hbm>>
      tpu.wait_dma2 semaphore(%run_scoped3A : memref<!tpu.dma_semaphore, #tpu.memory_space<semaphore_mem>>) src(%dma_wait3A_124 : memref<320xi32, #tpu.memory_space<hbm>>) dst(%arg6 : memref<320xi32, #tpu.memory_space<vmem>>)
      tpu.yield
    }) : () -> ()
    "tpu.region"() ({
      %run_scoped3A = tpu.sem_alloc : memref<!tpu.dma_semaphore, #tpu.memory_space<semaphore_mem>>
      tpu.enqueue_dma source(%arg4 : memref<6000xi32, #tpu.memory_space<hbm>>) target(%arg8 : memref<6000xi32, #tpu.memory_space<vmem>>) target_semaphore(%run_scoped3A : memref<!tpu.dma_semaphore, #tpu.memory_space<semaphore_mem>>)
      tpu.wait_dma2 semaphore(%run_scoped3A : memref<!tpu.dma_semaphore, #tpu.memory_space<semaphore_mem>>) src(%arg4 : memref<6000xi32, #tpu.memory_space<hbm>>) dst(%arg8 : memref<6000xi32, #tpu.memory_space<vmem>>)
      tpu.yield
    }) : () -> ()
    %scan3A = arith.constant 0 : i32
    %scan3A_3 = arith.constant 0 : i32
    %scan3A_4 = arith.constant 20 : i32
    %scan3A_5 = arith.addi %scan3A_3, %scan3A_4 : i32
    %scan3A_6 = arith.constant 1 : i32
    %scan3A_7 = scf.for %scan3A_121 = %scan3A_3 to %scan3A_5 step %scan3A_6 iter_args(%scan3A_122 = %scan3A) -> (i32)  : i32 {
      %mul3A_123 = arith.constant 16 : i32
      %mul3A_124 = arith.muli %scan3A_121, %mul3A_123 : i32
      %get3A = arith.index_cast %mul3A_124 : i32 to index
      %get3A_125 = tpu.vector_load %arg6[%get3A] {strides = array<i32>} : memref<320xi32, #tpu.memory_space<vmem>>, vector<16xi32>,
      %lt3A = arith.constant 6000 : i32
      %lt3A_126 = vector.broadcast %lt3A : i32 to vector<16xi32>
      %lt3A_127 = arith.cmpi slt, %get3A_125, %lt3A_126 : vector<16xi32>
      %jit3A = arith.constant 0 : i32
      %broadcast_in_dim3A = vector.broadcast %jit3A : i32 to vector<16xi32>
      %select_n3A = arith.select %lt3A_127, %get3A_125, %broadcast_in_dim3A : vector<16xi1>, vector<16xi32>
      %gather3A = tpu.vector_load_idx %arg8[%select_n3A] : memref<6000xi32, #tpu.memory_space<vmem>>[vector<16xi32>], vector<16xi32>,
      %add3A_128 = arith.constant 10000 : i32
      %add3A_129 = vector.broadcast %add3A_128 : i32 to vector<16xi32>
      %add3A_130 = arith.addi %add3A_129, %get3A_125 : vector<16xi32>
      %sub3A = arith.constant 6000 : i32
      %sub3A_131 = vector.broadcast %sub3A : i32 to vector<16xi32>
      %sub3A_132 = arith.subi %add3A_130, %sub3A_131 : vector<16xi32>
      %select_n3A_133 = arith.select %lt3A_127, %gather3A, %sub3A_132 : vector<16xi1>, vector<16xi32>
      %mul3A_134 = arith.constant 16 : i32
      %mul3A_135 = arith.muli %scan3A_121, %mul3A_134 : i32
      %swap3A = arith.index_cast %mul3A_135 : i32 to index
      %swap3A_136 = tpu.vector_load %arg6[%swap3A] {strides = array<i32>} : memref<320xi32, #tpu.memory_space<vmem>>, vector<16xi32>,
      tpu.vector_store %arg6[%swap3A], %select_n3A_133 {strides = array<i32>} : memref<320xi32, #tpu.memory_space<vmem>>, vector<16xi32>,
      %add3A_137 = arith.constant 14000 : i32
      %add3A_138 = vector.broadcast %add3A_137 : i32 to vector<16xi32>
      %add3A_139 = arith.addi %select_n3A_133, %add3A_138 : vector<16xi32>
      %mul3A_140 = arith.constant 16 : i32
      %mul3A_141 = arith.muli %scan3A_121, %mul3A_140 : i32
      %swap3A_142 = arith.index_cast %mul3A_141 : i32 to index
      %swap3A_143 = tpu.vector_load %arg7[%swap3A_142] {strides = array<i32>} : memref<320xi32, #tpu.memory_space<vmem>>, vector<16xi32>,
      tpu.vector_store %arg7[%swap3A_142], %add3A_139 {strides = array<i32>} : memref<320xi32, #tpu.memory_space<vmem>>, vector<16xi32>,
      %scan3A_144 = arith.constant 0 : i32
      scf.yield %scan3A_144 : i32
    }
    %scan3A_8 = arith.constant 20 : i32
    %dma_start3A = arith.constant 0 : i32
    %dma_start3A_9 = arith.constant 0 : i32
    %dma_start3A_10 = tpu.memref_slice %arg9[%dma_start3A, %dma_start3A_9] : memref<128x128xf32, #tpu.memory_space<vmem>> -> memref<128x128xf32, #tpu.memory_space<vmem>>
    %dma_start3A_11 = arith.constant 0 : i32
    %dma_start3A_12 = tpu.memref_slice %arg6[%dma_start3A_11] : memref<320xi32, #tpu.memory_space<vmem>> -> memref<128xi32, #tpu.memory_space<vmem>>
    %dma_start3A_13 = arith.constant 0 : i32
    %dma_start3A_14 = arith.constant 0 : i32
    %dma_start3A_15 = tpu.memref_slice %arg2[%dma_start3A_13, %dma_start3A_14] : memref<28000x128xf32, #tpu.memory_space<hbm>> -> memref<28000x128xf32, #tpu.memory_space<hbm>>
    tpu.enqueue_indirect_dma source(%dma_start3A_15 : memref<28000x128xf32, #tpu.memory_space<hbm>>) target(%dma_start3A_10 : memref<128x128xf32, #tpu.memory_space<vmem>>) offsets(%dma_start3A_12 : memref<128xi32, #tpu.memory_space<vmem>>) semaphore(%arg11 : memref<!tpu.dma_semaphore, #tpu.memory_space<semaphore_mem>>)
    %dma_wait3A = arith.constant 0 : i32
    %dma_wait3A_16 = arith.constant 0 : i32
    %dma_wait3A_17 = tpu.memref_slice %arg9[%dma_wait3A, %dma_wait3A_16] : memref<128x128xf32, #tpu.memory_space<vmem>> -> memref<128x128xf32, #tpu.memory_space<vmem>>
    %dma_wait3A_18 = arith.constant 0 : i32
    %dma_wait3A_19 = tpu.memref_slice %arg6[%dma_wait3A_18] : memref<320xi32, #tpu.memory_space<vmem>> -> memref<128xi32, #tpu.memory_space<vmem>>
    %dma_wait3A_20 = arith.constant 0 : i32
    %dma_wait3A_21 = arith.constant 0 : i32
    %dma_wait3A_22 = tpu.memref_slice %arg2[%dma_wait3A_20, %dma_wait3A_21] : memref<28000x128xf32, #tpu.memory_space<hbm>> -> memref<28000x128xf32, #tpu.memory_space<hbm>>
    tpu.wait_indirect_dma semaphore(%arg11 : memref<!tpu.dma_semaphore, #tpu.memory_space<semaphore_mem>>) src(%dma_wait3A_22 : memref<28000x128xf32, #tpu.memory_space<hbm>>) dst(%dma_wait3A_17 : memref<128x128xf32, #tpu.memory_space<vmem>>)
    %add3A_23 = arith.constant 0 : i32
    %add3A_24 = arith.addi %mul3A_2, %add3A_23 : i32
    "tpu.region"() ({
      %run_scoped3A = tpu.sem_alloc : memref<!tpu.dma_semaphore, #tpu.memory_space<semaphore_mem>>
      %dma_start3A_121 = arith.constant 0 : i32
      %dma_start3A_122 = arith.constant 0 : i32
      %dma_start3A_123 = tpu.memref_slice %arg9[%dma_start3A_121, %dma_start3A_122] : memref<128x128xf32, #tpu.memory_space<vmem>> -> memref<128x128xf32, #tpu.memory_space<vmem>>
      %dma_start3A_124 = arith.constant 0 : i32
      %dma_start3A_125 = tpu.memref_slice %arg5[%add3A_24, %dma_start3A_124] : memref<20480x128xf32, #tpu.memory_space<hbm>> -> memref<128x128xf32, #tpu.memory_space<hbm>>
      %dma_start3A_126 = arith.constant 0 : i32
      %dma_start3A_127 = tpu.memref_slice %arg5[%add3A_24, %dma_start3A_126] : memref<20480x128xf32, #tpu.memory_space<hbm>> -> memref<128x128xf32, #tpu.memory_space<hbm>>
      %dma_start3A_128 = arith.constant 0 : i32
      %dma_start3A_129 = arith.constant 0 : i32
      %dma_start3A_130 = tpu.memref_slice %arg9[%dma_start3A_128, %dma_start3A_129] : memref<128x128xf32, #tpu.memory_space<vmem>> -> memref<128x128xf32, #tpu.memory_space<vmem>>
      tpu.enqueue_dma source(%dma_start3A_130 : memref<128x128xf32, #tpu.memory_space<vmem>>) target(%dma_start3A_127 : memref<128x128xf32, #tpu.memory_space<hbm>>) target_semaphore(%run_scoped3A : memref<!tpu.dma_semaphore, #tpu.memory_space<semaphore_mem>>)
      %dma_wait3A_131 = arith.constant 0 : i32
      %dma_wait3A_132 = arith.constant 0 : i32
      %dma_wait3A_133 = tpu.memref_slice %arg9[%dma_wait3A_131, %dma_wait3A_132] : memref<128x128xf32, #tpu.memory_space<vmem>> -> memref<128x128xf32, #tpu.memory_space<vmem>>
      %dma_wait3A_134 = arith.constant 0 : i32
      %dma_wait3A_135 = tpu.memref_slice %arg5[%add3A_24, %dma_wait3A_134] : memref<20480x128xf32, #tpu.memory_space<hbm>> -> memref<128x128xf32, #tpu.memory_space<hbm>>
      %dma_wait3A_136 = arith.constant 0 : i32
      %dma_wait3A_137 = tpu.memref_slice %arg5[%add3A_24, %dma_wait3A_136] : memref<20480x128xf32, #tpu.memory_space<hbm>> -> memref<128x128xf32, #tpu.memory_space<hbm>>
      %dma_wait3A_138 = arith.constant 0 : i32
      %dma_wait3A_139 = arith.constant 0 : i32
      %dma_wait3A_140 = tpu.memref_slice %arg9[%dma_wait3A_138, %dma_wait3A_139] : memref<128x128xf32, #tpu.memory_space<vmem>> -> memref<128x128xf32, #tpu.memory_space<vmem>>
      tpu.wait_dma2 semaphore(%run_scoped3A : memref<!tpu.dma_semaphore, #tpu.memory_space<semaphore_mem>>) src(%dma_wait3A_140 : memref<128x128xf32, #tpu.memory_space<vmem>>) dst(%dma_wait3A_137 : memref<128x128xf32, #tpu.memory_space<hbm>>)
      tpu.yield
    }) : () -> ()
    %dma_start3A_25 = arith.constant 0 : i32
    %dma_start3A_26 = arith.constant 0 : i32
    %dma_start3A_27 = tpu.memref_slice %arg10[%dma_start3A_25, %dma_start3A_26] : memref<128x128xf32, #tpu.memory_space<vmem>> -> memref<128x128xf32, #tpu.memory_space<vmem>>
    %dma_start3A_28 = arith.constant 0 : i32
    %dma_start3A_29 = tpu.memref_slice %arg7[%dma_start3A_28] : memref<320xi32, #tpu.memory_space<vmem>> -> memref<128xi32, #tpu.memory_space<vmem>>
    %dma_start3A_30 = arith.constant 0 : i32
    %dma_start3A_31 = arith.constant 0 : i32
    %dma_start3A_32 = tpu.memref_slice %arg2[%dma_start3A_30, %dma_start3A_31] : memref<28000x128xf32, #tpu.memory_space<hbm>> -> memref<28000x128xf32, #tpu.memory_space<hbm>>
    tpu.enqueue_indirect_dma source(%dma_start3A_32 : memref<28000x128xf32, #tpu.memory_space<hbm>>) target(%dma_start3A_27 : memref<128x128xf32, #tpu.memory_space<vmem>>) offsets(%dma_start3A_29 : memref<128xi32, #tpu.memory_space<vmem>>) semaphore(%arg11 : memref<!tpu.dma_semaphore, #tpu.memory_space<semaphore_mem>>)
    %dma_wait3A_33 = arith.constant 0 : i32
    %dma_wait3A_34 = arith.constant 0 : i32
    %dma_wait3A_35 = tpu.memref_slice %arg10[%dma_wait3A_33, %dma_wait3A_34] : memref<128x128xf32, #tpu.memory_space<vmem>> -> memref<128x128xf32, #tpu.memory_space<vmem>>
    %dma_wait3A_36 = arith.constant 0 : i32
    %dma_wait3A_37 = tpu.memref_slice %arg7[%dma_wait3A_36] : memref<320xi32, #tpu.memory_space<vmem>> -> memref<128xi32, #tpu.memory_space<vmem>>
    %dma_wait3A_38 = arith.constant 0 : i32
    %dma_wait3A_39 = arith.constant 0 : i32
    %dma_wait3A_40 = tpu.memref_slice %arg2[%dma_wait3A_38, %dma_wait3A_39] : memref<28000x128xf32, #tpu.memory_space<hbm>> -> memref<28000x128xf32, #tpu.memory_space<hbm>>
    tpu.wait_indirect_dma semaphore(%arg11 : memref<!tpu.dma_semaphore, #tpu.memory_space<semaphore_mem>>) src(%dma_wait3A_40 : memref<28000x128xf32, #tpu.memory_space<hbm>>) dst(%dma_wait3A_35 : memref<128x128xf32, #tpu.memory_space<vmem>>)
    %add3A_41 = arith.constant 10240 : i32
    %add3A_42 = arith.addi %add3A_41, %mul3A_2 : i32
    %add3A_43 = arith.constant 0 : i32
    %add3A_44 = arith.addi %add3A_42, %add3A_43 : i32
    "tpu.region"() ({
      %run_scoped3A = tpu.sem_alloc : memref<!tpu.dma_semaphore, #tpu.memory_space<semaphore_mem>>
      %dma_start3A_121 = arith.constant 0 : i32
      %dma_start3A_122 = arith.constant 0 : i32
      %dma_start3A_123 = tpu.memref_slice %arg10[%dma_start3A_121, %dma_start3A_122] : memref<128x128xf32, #tpu.memory_space<vmem>> -> memref<128x128xf32, #tpu.memory_space<vmem>>
      %dma_start3A_124 = arith.constant 0 : i32
      %dma_start3A_125 = tpu.memref_slice %arg5[%add3A_44, %dma_start3A_124] : memref<20480x128xf32, #tpu.memory_space<hbm>> -> memref<128x128xf32, #tpu.memory_space<hbm>>
      %dma_start3A_126 = arith.constant 0 : i32
      %dma_start3A_127 = tpu.memref_slice %arg5[%add3A_44, %dma_start3A_126] : memref<20480x128xf32, #tpu.memory_space<hbm>> -> memref<128x128xf32, #tpu.memory_space<hbm>>
      %dma_start3A_128 = arith.constant 0 : i32
      %dma_start3A_129 = arith.constant 0 : i32
      %dma_start3A_130 = tpu.memref_slice %arg10[%dma_start3A_128, %dma_start3A_129] : memref<128x128xf32, #tpu.memory_space<vmem>> -> memref<128x128xf32, #tpu.memory_space<vmem>>
      tpu.enqueue_dma source(%dma_start3A_130 : memref<128x128xf32, #tpu.memory_space<vmem>>) target(%dma_start3A_127 : memref<128x128xf32, #tpu.memory_space<hbm>>) target_semaphore(%run_scoped3A : memref<!tpu.dma_semaphore, #tpu.memory_space<semaphore_mem>>)
      %dma_wait3A_131 = arith.constant 0 : i32
      %dma_wait3A_132 = arith.constant 0 : i32
      %dma_wait3A_133 = tpu.memref_slice %arg10[%dma_wait3A_131, %dma_wait3A_132] : memref<128x128xf32, #tpu.memory_space<vmem>> -> memref<128x128xf32, #tpu.memory_space<vmem>>
      %dma_wait3A_134 = arith.constant 0 : i32
      %dma_wait3A_135 = tpu.memref_slice %arg5[%add3A_44, %dma_wait3A_134] : memref<20480x128xf32, #tpu.memory_space<hbm>> -> memref<128x128xf32, #tpu.memory_space<hbm>>
      %dma_wait3A_136 = arith.constant 0 : i32
      %dma_wait3A_137 = tpu.memref_slice %arg5[%add3A_44, %dma_wait3A_136] : memref<20480x128xf32, #tpu.memory_space<hbm>> -> memref<128x128xf32, #tpu.memory_space<hbm>>
      %dma_wait3A_138 = arith.constant 0 : i32
      %dma_wait3A_139 = arith.constant 0 : i32
      %dma_wait3A_140 = tpu.memref_slice %arg10[%dma_wait3A_138, %dma_wait3A_139] : memref<128x128xf32, #tpu.memory_space<vmem>> -> memref<128x128xf32, #tpu.memory_space<vmem>>
      tpu.wait_dma2 semaphore(%run_scoped3A : memref<!tpu.dma_semaphore, #tpu.memory_space<semaphore_mem>>) src(%dma_wait3A_140 : memref<128x128xf32, #tpu.memory_space<vmem>>) dst(%dma_wait3A_137 : memref<128x128xf32, #tpu.memory_space<hbm>>)
      tpu.yield
    }) : () -> ()
    %dma_start3A_45 = arith.constant 0 : i32
    %dma_start3A_46 = arith.constant 0 : i32
    %dma_start3A_47 = tpu.memref_slice %arg9[%dma_start3A_45, %dma_start3A_46] : memref<128x128xf32, #tpu.memory_space<vmem>> -> memref<128x128xf32, #tpu.memory_space<vmem>>
    %dma_start3A_48 = arith.constant 128 : i32
    %dma_start3A_49 = tpu.memref_slice %arg6[%dma_start3A_48] : memref<320xi32, #tpu.memory_space<vmem>> -> memref<128xi32, #tpu.memory_space<vmem>>
    %dma_start3A_50 = arith.constant 0 : i32
    %dma_start3A_51 = arith.constant 0 : i32
    %dma_start3A_52 = tpu.memref_slice %arg2[%dma_start3A_50, %dma_start3A_51] : memref<28000x128xf32, #tpu.memory_space<hbm>> -> memref<28000x128xf32, #tpu.memory_space<hbm>>
    tpu.enqueue_indirect_dma source(%dma_start3A_52 : memref<28000x128xf32, #tpu.memory_space<hbm>>) target(%dma_start3A_47 : memref<128x128xf32, #tpu.memory_space<vmem>>) offsets(%dma_start3A_49 : memref<128xi32, #tpu.memory_space<vmem>>) semaphore(%arg11 : memref<!tpu.dma_semaphore, #tpu.memory_space<semaphore_mem>>)
    %dma_wait3A_53 = arith.constant 0 : i32
    %dma_wait3A_54 = arith.constant 0 : i32
    %dma_wait3A_55 = tpu.memref_slice %arg9[%dma_wait3A_53, %dma_wait3A_54] : memref<128x128xf32, #tpu.memory_space<vmem>> -> memref<128x128xf32, #tpu.memory_space<vmem>>
    %dma_wait3A_56 = arith.constant 128 : i32
    %dma_wait3A_57 = tpu.memref_slice %arg6[%dma_wait3A_56] : memref<320xi32, #tpu.memory_space<vmem>> -> memref<128xi32, #tpu.memory_space<vmem>>
    %dma_wait3A_58 = arith.constant 0 : i32
    %dma_wait3A_59 = arith.constant 0 : i32
    %dma_wait3A_60 = tpu.memref_slice %arg2[%dma_wait3A_58, %dma_wait3A_59] : memref<28000x128xf32, #tpu.memory_space<hbm>> -> memref<28000x128xf32, #tpu.memory_space<hbm>>
    tpu.wait_indirect_dma semaphore(%arg11 : memref<!tpu.dma_semaphore, #tpu.memory_space<semaphore_mem>>) src(%dma_wait3A_60 : memref<28000x128xf32, #tpu.memory_space<hbm>>) dst(%dma_wait3A_55 : memref<128x128xf32, #tpu.memory_space<vmem>>)
    %add3A_61 = arith.constant 128 : i32
    %add3A_62 = arith.addi %mul3A_2, %add3A_61 : i32
    "tpu.region"() ({
      %run_scoped3A = tpu.sem_alloc : memref<!tpu.dma_semaphore, #tpu.memory_space<semaphore_mem>>
      %dma_start3A_121 = arith.constant 0 : i32
      %dma_start3A_122 = arith.constant 0 : i32
      %dma_start3A_123 = tpu.memref_slice %arg9[%dma_start3A_121, %dma_start3A_122] : memref<128x128xf32, #tpu.memory_space<vmem>> -> memref<128x128xf32, #tpu.memory_space<vmem>>
      %dma_start3A_124 = arith.constant 0 : i32
      %dma_start3A_125 = tpu.memref_slice %arg5[%add3A_62, %dma_start3A_124] : memref<20480x128xf32, #tpu.memory_space<hbm>> -> memref<128x128xf32, #tpu.memory_space<hbm>>
      %dma_start3A_126 = arith.constant 0 : i32
      %dma_start3A_127 = tpu.memref_slice %arg5[%add3A_62, %dma_start3A_126] : memref<20480x128xf32, #tpu.memory_space<hbm>> -> memref<128x128xf32, #tpu.memory_space<hbm>>
      %dma_start3A_128 = arith.constant 0 : i32
      %dma_start3A_129 = arith.constant 0 : i32
      %dma_start3A_130 = tpu.memref_slice %arg9[%dma_start3A_128, %dma_start3A_129] : memref<128x128xf32, #tpu.memory_space<vmem>> -> memref<128x128xf32, #tpu.memory_space<vmem>>
      tpu.enqueue_dma source(%dma_start3A_130 : memref<128x128xf32, #tpu.memory_space<vmem>>) target(%dma_start3A_127 : memref<128x128xf32, #tpu.memory_space<hbm>>) target_semaphore(%run_scoped3A : memref<!tpu.dma_semaphore, #tpu.memory_space<semaphore_mem>>)
      %dma_wait3A_131 = arith.constant 0 : i32
      %dma_wait3A_132 = arith.constant 0 : i32
      %dma_wait3A_133 = tpu.memref_slice %arg9[%dma_wait3A_131, %dma_wait3A_132] : memref<128x128xf32, #tpu.memory_space<vmem>> -> memref<128x128xf32, #tpu.memory_space<vmem>>
      %dma_wait3A_134 = arith.constant 0 : i32
      %dma_wait3A_135 = tpu.memref_slice %arg5[%add3A_62, %dma_wait3A_134] : memref<20480x128xf32, #tpu.memory_space<hbm>> -> memref<128x128xf32, #tpu.memory_space<hbm>>
      %dma_wait3A_136 = arith.constant 0 : i32
      %dma_wait3A_137 = tpu.memref_slice %arg5[%add3A_62, %dma_wait3A_136] : memref<20480x128xf32, #tpu.memory_space<hbm>> -> memref<128x128xf32, #tpu.memory_space<hbm>>
      %dma_wait3A_138 = arith.constant 0 : i32
      %dma_wait3A_139 = arith.constant 0 : i32
      %dma_wait3A_140 = tpu.memref_slice %arg9[%dma_wait3A_138, %dma_wait3A_139] : memref<128x128xf32, #tpu.memory_space<vmem>> -> memref<128x128xf32, #tpu.memory_space<vmem>>
      tpu.wait_dma2 semaphore(%run_scoped3A : memref<!tpu.dma_semaphore, #tpu.memory_space<semaphore_mem>>) src(%dma_wait3A_140 : memref<128x128xf32, #tpu.memory_space<vmem>>) dst(%dma_wait3A_137 : memref<128x128xf32, #tpu.memory_space<hbm>>)
      tpu.yield
    }) : () -> ()
    %dma_start3A_63 = arith.constant 0 : i32
    %dma_start3A_64 = arith.constant 0 : i32
    %dma_start3A_65 = tpu.memref_slice %arg10[%dma_start3A_63, %dma_start3A_64] : memref<128x128xf32, #tpu.memory_space<vmem>> -> memref<128x128xf32, #tpu.memory_space<vmem>>
    %dma_start3A_66 = arith.constant 128 : i32
    %dma_start3A_67 = tpu.memref_slice %arg7[%dma_start3A_66] : memref<320xi32, #tpu.memory_space<vmem>> -> memref<128xi32, #tpu.memory_space<vmem>>
    %dma_start3A_68 = arith.constant 0 : i32
    %dma_start3A_69 = arith.constant 0 : i32
    %dma_start3A_70 = tpu.memref_slice %arg2[%dma_start3A_68, %dma_start3A_69] : memref<28000x128xf32, #tpu.memory_space<hbm>> -> memref<28000x128xf32, #tpu.memory_space<hbm>>
    tpu.enqueue_indirect_dma source(%dma_start3A_70 : memref<28000x128xf32, #tpu.memory_space<hbm>>) target(%dma_start3A_65 : memref<128x128xf32, #tpu.memory_space<vmem>>) offsets(%dma_start3A_67 : memref<128xi32, #tpu.memory_space<vmem>>) semaphore(%arg11 : memref<!tpu.dma_semaphore, #tpu.memory_space<semaphore_mem>>)
    %dma_wait3A_71 = arith.constant 0 : i32
    %dma_wait3A_72 = arith.constant 0 : i32
    %dma_wait3A_73 = tpu.memref_slice %arg10[%dma_wait3A_71, %dma_wait3A_72] : memref<128x128xf32, #tpu.memory_space<vmem>> -> memref<128x128xf32, #tpu.memory_space<vmem>>
    %dma_wait3A_74 = arith.constant 128 : i32
    %dma_wait3A_75 = tpu.memref_slice %arg7[%dma_wait3A_74] : memref<320xi32, #tpu.memory_space<vmem>> -> memref<128xi32, #tpu.memory_space<vmem>>
    %dma_wait3A_76 = arith.constant 0 : i32
    %dma_wait3A_77 = arith.constant 0 : i32
    %dma_wait3A_78 = tpu.memref_slice %arg2[%dma_wait3A_76, %dma_wait3A_77] : memref<28000x128xf32, #tpu.memory_space<hbm>> -> memref<28000x128xf32, #tpu.memory_space<hbm>>
    tpu.wait_indirect_dma semaphore(%arg11 : memref<!tpu.dma_semaphore, #tpu.memory_space<semaphore_mem>>) src(%dma_wait3A_78 : memref<28000x128xf32, #tpu.memory_space<hbm>>) dst(%dma_wait3A_73 : memref<128x128xf32, #tpu.memory_space<vmem>>)
    %add3A_79 = arith.constant 10240 : i32
    %add3A_80 = arith.addi %add3A_79, %mul3A_2 : i32
    %add3A_81 = arith.constant 128 : i32
    %add3A_82 = arith.addi %add3A_80, %add3A_81 : i32
    "tpu.region"() ({
      %run_scoped3A = tpu.sem_alloc : memref<!tpu.dma_semaphore, #tpu.memory_space<semaphore_mem>>
      %dma_start3A_121 = arith.constant 0 : i32
      %dma_start3A_122 = arith.constant 0 : i32
      %dma_start3A_123 = tpu.memref_slice %arg10[%dma_start3A_121, %dma_start3A_122] : memref<128x128xf32, #tpu.memory_space<vmem>> -> memref<128x128xf32, #tpu.memory_space<vmem>>
      %dma_start3A_124 = arith.constant 0 : i32
      %dma_start3A_125 = tpu.memref_slice %arg5[%add3A_82, %dma_start3A_124] : memref<20480x128xf32, #tpu.memory_space<hbm>> -> memref<128x128xf32, #tpu.memory_space<hbm>>
      %dma_start3A_126 = arith.constant 0 : i32
      %dma_start3A_127 = tpu.memref_slice %arg5[%add3A_82, %dma_start3A_126] : memref<20480x128xf32, #tpu.memory_space<hbm>> -> memref<128x128xf32, #tpu.memory_space<hbm>>
      %dma_start3A_128 = arith.constant 0 : i32
      %dma_start3A_129 = arith.constant 0 : i32
      %dma_start3A_130 = tpu.memref_slice %arg10[%dma_start3A_128, %dma_start3A_129] : memref<128x128xf32, #tpu.memory_space<vmem>> -> memref<128x128xf32, #tpu.memory_space<vmem>>
      tpu.enqueue_dma source(%dma_start3A_130 : memref<128x128xf32, #tpu.memory_space<vmem>>) target(%dma_start3A_127 : memref<128x128xf32, #tpu.memory_space<hbm>>) target_semaphore(%run_scoped3A : memref<!tpu.dma_semaphore, #tpu.memory_space<semaphore_mem>>)
      %dma_wait3A_131 = arith.constant 0 : i32
      %dma_wait3A_132 = arith.constant 0 : i32
      %dma_wait3A_133 = tpu.memref_slice %arg10[%dma_wait3A_131, %dma_wait3A_132] : memref<128x128xf32, #tpu.memory_space<vmem>> -> memref<128x128xf32, #tpu.memory_space<vmem>>
      %dma_wait3A_134 = arith.constant 0 : i32
      %dma_wait3A_135 = tpu.memref_slice %arg5[%add3A_82, %dma_wait3A_134] : memref<20480x128xf32, #tpu.memory_space<hbm>> -> memref<128x128xf32, #tpu.memory_space<hbm>>
      %dma_wait3A_136 = arith.constant 0 : i32
      %dma_wait3A_137 = tpu.memref_slice %arg5[%add3A_82, %dma_wait3A_136] : memref<20480x128xf32, #tpu.memory_space<hbm>> -> memref<128x128xf32, #tpu.memory_space<hbm>>
      %dma_wait3A_138 = arith.constant 0 : i32
      %dma_wait3A_139 = arith.constant 0 : i32
      %dma_wait3A_140 = tpu.memref_slice %arg10[%dma_wait3A_138, %dma_wait3A_139] : memref<128x128xf32, #tpu.memory_space<vmem>> -> memref<128x128xf32, #tpu.memory_space<vmem>>
      tpu.wait_dma2 semaphore(%run_scoped3A : memref<!tpu.dma_semaphore, #tpu.memory_space<semaphore_mem>>) src(%dma_wait3A_140 : memref<128x128xf32, #tpu.memory_space<vmem>>) dst(%dma_wait3A_137 : memref<128x128xf32, #tpu.memory_space<hbm>>)
      tpu.yield
    }) : () -> ()
    %dma_start3A_83 = arith.constant 0 : i32
    %dma_start3A_84 = arith.constant 0 : i32
    %dma_start3A_85 = tpu.memref_slice %arg9[%dma_start3A_83, %dma_start3A_84] : memref<128x128xf32, #tpu.memory_space<vmem>> -> memref<64x128xf32, #tpu.memory_space<vmem>>
    %dma_start3A_86 = arith.constant 256 : i32
    %dma_start3A_87 = tpu.memref_slice %arg6[%dma_start3A_86] : memref<320xi32, #tpu.memory_space<vmem>> -> memref<64xi32, #tpu.memory_space<vmem>>
    %dma_start3A_88 = arith.constant 0 : i32
    %dma_start3A_89 = arith.constant 0 : i32
    %dma_start3A_90 = tpu.memref_slice %arg2[%dma_start3A_88, %dma_start3A_89] : memref<28000x128xf32, #tpu.memory_space<hbm>> -> memref<28000x128xf32, #tpu.memory_space<hbm>>
    tpu.enqueue_indirect_dma source(%dma_start3A_90 : memref<28000x128xf32, #tpu.memory_space<hbm>>) target(%dma_start3A_85 : memref<64x128xf32, #tpu.memory_space<vmem>>) offsets(%dma_start3A_87 : memref<64xi32, #tpu.memory_space<vmem>>) semaphore(%arg11 : memref<!tpu.dma_semaphore, #tpu.memory_space<semaphore_mem>>)
    %dma_wait3A_91 = arith.constant 0 : i32
    %dma_wait3A_92 = arith.constant 0 : i32
    %dma_wait3A_93 = tpu.memref_slice %arg9[%dma_wait3A_91, %dma_wait3A_92] : memref<128x128xf32, #tpu.memory_space<vmem>> -> memref<64x128xf32, #tpu.memory_space<vmem>>
    %dma_wait3A_94 = arith.constant 256 : i32
    %dma_wait3A_95 = tpu.memref_slice %arg6[%dma_wait3A_94] : memref<320xi32, #tpu.memory_space<vmem>> -> memref<64xi32, #tpu.memory_space<vmem>>
    %dma_wait3A_96 = arith.constant 0 : i32
    %dma_wait3A_97 = arith.constant 0 : i32
    %dma_wait3A_98 = tpu.memref_slice %arg2[%dma_wait3A_96, %dma_wait3A_97] : memref<28000x128xf32, #tpu.memory_space<hbm>> -> memref<28000x128xf32, #tpu.memory_space<hbm>>
    tpu.wait_indirect_dma semaphore(%arg11 : memref<!tpu.dma_semaphore, #tpu.memory_space<semaphore_mem>>) src(%dma_wait3A_98 : memref<28000x128xf32, #tpu.memory_space<hbm>>) dst(%dma_wait3A_93 : memref<64x128xf32, #tpu.memory_space<vmem>>)
    %add3A_99 = arith.constant 256 : i32
    %add3A_100 = arith.addi %mul3A_2, %add3A_99 : i32
    "tpu.region"() ({
      %run_scoped3A = tpu.sem_alloc : memref<!tpu.dma_semaphore, #tpu.memory_space<semaphore_mem>>
      %dma_start3A_121 = arith.constant 0 : i32
      %dma_start3A_122 = arith.constant 0 : i32
      %dma_start3A_123 = tpu.memref_slice %arg9[%dma_start3A_121, %dma_start3A_122] : memref<128x128xf32, #tpu.memory_space<vmem>> -> memref<64x128xf32, #tpu.memory_space<vmem>>
      %dma_start3A_124 = arith.constant 0 : i32
      %dma_start3A_125 = tpu.memref_slice %arg5[%add3A_100, %dma_start3A_124] : memref<20480x128xf32, #tpu.memory_space<hbm>> -> memref<64x128xf32, #tpu.memory_space<hbm>>
      %dma_start3A_126 = arith.constant 0 : i32
      %dma_start3A_127 = tpu.memref_slice %arg5[%add3A_100, %dma_start3A_126] : memref<20480x128xf32, #tpu.memory_space<hbm>> -> memref<64x128xf32, #tpu.memory_space<hbm>>
      %dma_start3A_128 = arith.constant 0 : i32
      %dma_start3A_129 = arith.constant 0 : i32
      %dma_start3A_130 = tpu.memref_slice %arg9[%dma_start3A_128, %dma_start3A_129] : memref<128x128xf32, #tpu.memory_space<vmem>> -> memref<64x128xf32, #tpu.memory_space<vmem>>
      tpu.enqueue_dma source(%dma_start3A_130 : memref<64x128xf32, #tpu.memory_space<vmem>>) target(%dma_start3A_127 : memref<64x128xf32, #tpu.memory_space<hbm>>) target_semaphore(%run_scoped3A : memref<!tpu.dma_semaphore, #tpu.memory_space<semaphore_mem>>)
      %dma_wait3A_131 = arith.constant 0 : i32
      %dma_wait3A_132 = arith.constant 0 : i32
      %dma_wait3A_133 = tpu.memref_slice %arg9[%dma_wait3A_131, %dma_wait3A_132] : memref<128x128xf32, #tpu.memory_space<vmem>> -> memref<64x128xf32, #tpu.memory_space<vmem>>
      %dma_wait3A_134 = arith.constant 0 : i32
      %dma_wait3A_135 = tpu.memref_slice %arg5[%add3A_100, %dma_wait3A_134] : memref<20480x128xf32, #tpu.memory_space<hbm>> -> memref<64x128xf32, #tpu.memory_space<hbm>>
      %dma_wait3A_136 = arith.constant 0 : i32
      %dma_wait3A_137 = tpu.memref_slice %arg5[%add3A_100, %dma_wait3A_136] : memref<20480x128xf32, #tpu.memory_space<hbm>> -> memref<64x128xf32, #tpu.memory_space<hbm>>
      %dma_wait3A_138 = arith.constant 0 : i32
      %dma_wait3A_139 = arith.constant 0 : i32
      %dma_wait3A_140 = tpu.memref_slice %arg9[%dma_wait3A_138, %dma_wait3A_139] : memref<128x128xf32, #tpu.memory_space<vmem>> -> memref<64x128xf32, #tpu.memory_space<vmem>>
      tpu.wait_dma2 semaphore(%run_scoped3A : memref<!tpu.dma_semaphore, #tpu.memory_space<semaphore_mem>>) src(%dma_wait3A_140 : memref<64x128xf32, #tpu.memory_space<vmem>>) dst(%dma_wait3A_137 : memref<64x128xf32, #tpu.memory_space<hbm>>)
      tpu.yield
    }) : () -> ()
    %dma_start3A_101 = arith.constant 0 : i32
    %dma_start3A_102 = arith.constant 0 : i32
    %dma_start3A_103 = tpu.memref_slice %arg10[%dma_start3A_101, %dma_start3A_102] : memref<128x128xf32, #tpu.memory_space<vmem>> -> memref<64x128xf32, #tpu.memory_space<vmem>>
    %dma_start3A_104 = arith.constant 256 : i32
    %dma_start3A_105 = tpu.memref_slice %arg7[%dma_start3A_104] : memref<320xi32, #tpu.memory_space<vmem>> -> memref<64xi32, #tpu.memory_space<vmem>>
    %dma_start3A_106 = arith.constant 0 : i32
    %dma_start3A_107 = arith.constant 0 : i32
    %dma_start3A_108 = tpu.memref_slice %arg2[%dma_start3A_106, %dma_start3A_107] : memref<28000x128xf32, #tpu.memory_space<hbm>> -> memref<28000x128xf32, #tpu.memory_space<hbm>>
    tpu.enqueue_indirect_dma source(%dma_start3A_108 : memref<28000x128xf32, #tpu.memory_space<hbm>>) target(%dma_start3A_103 : memref<64x128xf32, #tpu.memory_space<vmem>>) offsets(%dma_start3A_105 : memref<64xi32, #tpu.memory_space<vmem>>) semaphore(%arg11 : memref<!tpu.dma_semaphore, #tpu.memory_space<semaphore_mem>>)
    %dma_wait3A_109 = arith.constant 0 : i32
    %dma_wait3A_110 = arith.constant 0 : i32
    %dma_wait3A_111 = tpu.memref_slice %arg10[%dma_wait3A_109, %dma_wait3A_110] : memref<128x128xf32, #tpu.memory_space<vmem>> -> memref<64x128xf32, #tpu.memory_space<vmem>>
    %dma_wait3A_112 = arith.constant 256 : i32
    %dma_wait3A_113 = tpu.memref_slice %arg7[%dma_wait3A_112] : memref<320xi32, #tpu.memory_space<vmem>> -> memref<64xi32, #tpu.memory_space<vmem>>
    %dma_wait3A_114 = arith.constant 0 : i32
    %dma_wait3A_115 = arith.constant 0 : i32
    %dma_wait3A_116 = tpu.memref_slice %arg2[%dma_wait3A_114, %dma_wait3A_115] : memref<28000x128xf32, #tpu.memory_space<hbm>> -> memref<28000x128xf32, #tpu.memory_space<hbm>>
    tpu.wait_indirect_dma semaphore(%arg11 : memref<!tpu.dma_semaphore, #tpu.memory_space<semaphore_mem>>) src(%dma_wait3A_116 : memref<28000x128xf32, #tpu.memory_space<hbm>>) dst(%dma_wait3A_111 : memref<64x128xf32, #tpu.memory_space<vmem>>)
    %add3A_117 = arith.constant 10240 : i32
    %add3A_118 = arith.addi %add3A_117, %mul3A_2 : i32
    %add3A_119 = arith.constant 256 : i32
    %add3A_120 = arith.addi %add3A_118, %add3A_119 : i32
    "tpu.region"() ({
      %run_scoped3A = tpu.sem_alloc : memref<!tpu.dma_semaphore, #tpu.memory_space<semaphore_mem>>
      %dma_start3A_121 = arith.constant 0 : i32
      %dma_start3A_122 = arith.constant 0 : i32
      %dma_start3A_123 = tpu.memref_slice %arg10[%dma_start3A_121, %dma_start3A_122] : memref<128x128xf32, #tpu.memory_space<vmem>> -> memref<64x128xf32, #tpu.memory_space<vmem>>
      %dma_start3A_124 = arith.constant 0 : i32
      %dma_start3A_125 = tpu.memref_slice %arg5[%add3A_120, %dma_start3A_124] : memref<20480x128xf32, #tpu.memory_space<hbm>> -> memref<64x128xf32, #tpu.memory_space<hbm>>
      %dma_start3A_126 = arith.constant 0 : i32
      %dma_start3A_127 = tpu.memref_slice %arg5[%add3A_120, %dma_start3A_126] : memref<20480x128xf32, #tpu.memory_space<hbm>> -> memref<64x128xf32, #tpu.memory_space<hbm>>
      %dma_start3A_128 = arith.constant 0 : i32
      %dma_start3A_129 = arith.constant 0 : i32
      %dma_start3A_130 = tpu.memref_slice %arg10[%dma_start3A_128, %dma_start3A_129] : memref<128x128xf32, #tpu.memory_space<vmem>> -> memref<64x128xf32, #tpu.memory_space<vmem>>
      tpu.enqueue_dma source(%dma_start3A_130 : memref<64x128xf32, #tpu.memory_space<vmem>>) target(%dma_start3A_127 : memref<64x128xf32, #tpu.memory_space<hbm>>) target_semaphore(%run_scoped3A : memref<!tpu.dma_semaphore, #tpu.memory_space<semaphore_mem>>)
      %dma_wait3A_131 = arith.constant 0 : i32
      %dma_wait3A_132 = arith.constant 0 : i32
      %dma_wait3A_133 = tpu.memref_slice %arg10[%dma_wait3A_131, %dma_wait3A_132] : memref<128x128xf32, #tpu.memory_space<vmem>> -> memref<64x128xf32, #tpu.memory_space<vmem>>
      %dma_wait3A_134 = arith.constant 0 : i32
      %dma_wait3A_135 = tpu.memref_slice %arg5[%add3A_120, %dma_wait3A_134] : memref<20480x128xf32, #tpu.memory_space<hbm>> -> memref<64x128xf32, #tpu.memory_space<hbm>>
      %dma_wait3A_136 = arith.constant 0 : i32
      %dma_wait3A_137 = tpu.memref_slice %arg5[%add3A_120, %dma_wait3A_136] : memref<20480x128xf32, #tpu.memory_space<hbm>> -> memref<64x128xf32, #tpu.memory_space<hbm>>
      %dma_wait3A_138 = arith.constant 0 : i32
      %dma_wait3A_139 = arith.constant 0 : i32
      %dma_wait3A_140 = tpu.memref_slice %arg10[%dma_wait3A_138, %dma_wait3A_139] : memref<128x128xf32, #tpu.memory_space<vmem>> -> memref<64x128xf32, #tpu.memory_space<vmem>>
      tpu.wait_dma2 semaphore(%run_scoped3A : memref<!tpu.dma_semaphore, #tpu.memory_space<semaphore_mem>>) src(%dma_wait3A_140 : memref<64x128xf32, #tpu.memory_space<vmem>>) dst(%dma_wait3A_137 : memref<64x128xf32, #tpu.memory_space<hbm>>)
      tpu.yield
    }) : () -> ()
    return
  }
}

#map = affine_map<(d0, d1) -> (0, 0)>
#map1 = affine_map<(d0, d1) -> (0, 0, 0)>
module attributes {stable_mosaic.version = 14 : i64} {
  func.func @_edge_body(%arg0: i32, %arg1: i32, %arg2: memref<20480x128xf32, #tpu.memory_space<hbm>>, %arg3: memref<2x161792xi32, #tpu.memory_space<hbm>>, %arg4: memref<16x79x128xi32, #tpu.memory_space<hbm>>, %arg5: memref<632x128xf32, #tpu.memory_space<hbm>>, %arg6: memref<2x10112x128xf32, #tpu.memory_space<hbm>>, %arg7: memref<10112xi32, #tpu.memory_space<vmem>>, %arg8: memref<79x128xi32, #tpu.memory_space<vmem>>, %arg9: memref<128x128xf32, #tpu.memory_space<vmem>>, %arg10: memref<10112x128xf32, #tpu.memory_space<vmem_shared>>, %arg11: memref<!tpu.dma_semaphore, #tpu.memory_space<semaphore_mem>>) attributes {dimension_semantics = [#tpu.dimension_semantics<core_parallel>, #tpu.dimension_semantics<subcore_parallel>], iteration_bounds = array<i64: 2, 16>, scalar_prefetch = 0 : i64, scratch_operands = 5 : i64, tpu.core_type = #tpu.core_type<sc_vector_subcore>, window_params = [{transform_indices = #map}, {transform_indices = #map}, {transform_indices = #map1}, {transform_indices = #map}, {transform_indices = #map1}]} {
    %mul3A = arith.constant 632 : i32
    %mul3A_0 = arith.muli %arg1, %mul3A : i32
    "tpu.region"() ({
      %run_scoped3A = tpu.sem_alloc : memref<!tpu.dma_semaphore, #tpu.memory_space<semaphore_mem>>
      %dma_start3A = arith.constant 0 : i32
      %dma_start3A_14 = tpu.memref_slice %arg10[%mul3A_0, %dma_start3A] : memref<10112x128xf32, #tpu.memory_space<vmem_shared>> -> memref<632x128xf32, #tpu.memory_space<vmem_shared>>
      tpu.enqueue_dma source(%arg5 : memref<632x128xf32, #tpu.memory_space<hbm>>) target(%dma_start3A_14 : memref<632x128xf32, #tpu.memory_space<vmem_shared>>) target_semaphore(%run_scoped3A : memref<!tpu.dma_semaphore, #tpu.memory_space<semaphore_mem>>)
      %dma_wait3A = arith.constant 0 : i32
      %dma_wait3A_15 = tpu.memref_slice %arg10[%mul3A_0, %dma_wait3A] : memref<10112x128xf32, #tpu.memory_space<vmem_shared>> -> memref<632x128xf32, #tpu.memory_space<vmem_shared>>
      tpu.wait_dma2 semaphore(%run_scoped3A : memref<!tpu.dma_semaphore, #tpu.memory_space<semaphore_mem>>) src(%arg5 : memref<632x128xf32, #tpu.memory_space<hbm>>) dst(%dma_wait3A_15 : memref<632x128xf32, #tpu.memory_space<vmem_shared>>)
      tpu.yield
    }) : () -> ()
    %mul3A_1 = arith.constant 10112 : i32
    %mul3A_2 = arith.muli %arg1, %mul3A_1 : i32
    "tpu.region"() ({
      %run_scoped3A = tpu.sem_alloc : memref<!tpu.dma_semaphore, #tpu.memory_space<semaphore_mem>>
      %dma_start3A = tpu.memref_slice %arg3[%arg0, %mul3A_2] : memref<2x161792xi32, #tpu.memory_space<hbm>> -> memref<1x10112xi32, #tpu.memory_space<hbm>>
      %dma_start3A_14 = tpu.memref_squeeze %dma_start3A : memref<1x10112xi32, #tpu.memory_space<hbm>> -> memref<10112xi32, #tpu.memory_space<hbm>>
      %dma_start3A_15 = tpu.memref_slice %arg3[%arg0, %mul3A_2] : memref<2x161792xi32, #tpu.memory_space<hbm>> -> memref<1x10112xi32, #tpu.memory_space<hbm>>
      %dma_start3A_16 = tpu.memref_squeeze %dma_start3A_15 : memref<1x10112xi32, #tpu.memory_space<hbm>> -> memref<10112xi32, #tpu.memory_space<hbm>>
      tpu.enqueue_dma source(%dma_start3A_16 : memref<10112xi32, #tpu.memory_space<hbm>>) target(%arg7 : memref<10112xi32, #tpu.memory_space<vmem>>) target_semaphore(%run_scoped3A : memref<!tpu.dma_semaphore, #tpu.memory_space<semaphore_mem>>)
      %dma_wait3A = tpu.memref_slice %arg3[%arg0, %mul3A_2] : memref<2x161792xi32, #tpu.memory_space<hbm>> -> memref<1x10112xi32, #tpu.memory_space<hbm>>
      %dma_wait3A_17 = tpu.memref_squeeze %dma_wait3A : memref<1x10112xi32, #tpu.memory_space<hbm>> -> memref<10112xi32, #tpu.memory_space<hbm>>
      %dma_wait3A_18 = tpu.memref_slice %arg3[%arg0, %mul3A_2] : memref<2x161792xi32, #tpu.memory_space<hbm>> -> memref<1x10112xi32, #tpu.memory_space<hbm>>
      %dma_wait3A_19 = tpu.memref_squeeze %dma_wait3A_18 : memref<1x10112xi32, #tpu.memory_space<hbm>> -> memref<10112xi32, #tpu.memory_space<hbm>>
      tpu.wait_dma2 semaphore(%run_scoped3A : memref<!tpu.dma_semaphore, #tpu.memory_space<semaphore_mem>>) src(%dma_wait3A_19 : memref<10112xi32, #tpu.memory_space<hbm>>) dst(%arg7 : memref<10112xi32, #tpu.memory_space<vmem>>)
      tpu.yield
    }) : () -> ()
    "tpu.region"() ({
      %run_scoped3A = tpu.sem_alloc : memref<!tpu.dma_semaphore, #tpu.memory_space<semaphore_mem>>
      %dma_start3A = arith.constant 0 : i32
      %dma_start3A_14 = arith.constant 0 : i32
      %dma_start3A_15 = tpu.memref_slice %arg4[%arg1, %dma_start3A, %dma_start3A_14] : memref<16x79x128xi32, #tpu.memory_space<hbm>> -> memref<1x79x128xi32, #tpu.memory_space<hbm>>
      %dma_start3A_16 = tpu.memref_squeeze %dma_start3A_15 : memref<1x79x128xi32, #tpu.memory_space<hbm>> -> memref<79x128xi32, #tpu.memory_space<hbm>>
      %dma_start3A_17 = arith.constant 0 : i32
      %dma_start3A_18 = arith.constant 0 : i32
      %dma_start3A_19 = tpu.memref_slice %arg4[%arg1, %dma_start3A_17, %dma_start3A_18] : memref<16x79x128xi32, #tpu.memory_space<hbm>> -> memref<1x79x128xi32, #tpu.memory_space<hbm>>
      %dma_start3A_20 = tpu.memref_squeeze %dma_start3A_19 : memref<1x79x128xi32, #tpu.memory_space<hbm>> -> memref<79x128xi32, #tpu.memory_space<hbm>>
      tpu.enqueue_dma source(%dma_start3A_20 : memref<79x128xi32, #tpu.memory_space<hbm>>) target(%arg8 : memref<79x128xi32, #tpu.memory_space<vmem>>) target_semaphore(%run_scoped3A : memref<!tpu.dma_semaphore, #tpu.memory_space<semaphore_mem>>)
      %dma_wait3A = arith.constant 0 : i32
      %dma_wait3A_21 = arith.constant 0 : i32
      %dma_wait3A_22 = tpu.memref_slice %arg4[%arg1, %dma_wait3A, %dma_wait3A_21] : memref<16x79x128xi32, #tpu.memory_space<hbm>> -> memref<1x79x128xi32, #tpu.memory_space<hbm>>
      %dma_wait3A_23 = tpu.memref_squeeze %dma_wait3A_22 : memref<1x79x128xi32, #tpu.memory_space<hbm>> -> memref<79x128xi32, #tpu.memory_space<hbm>>
      %dma_wait3A_24 = arith.constant 0 : i32
      %dma_wait3A_25 = arith.constant 0 : i32
      %dma_wait3A_26 = tpu.memref_slice %arg4[%arg1, %dma_wait3A_24, %dma_wait3A_25] : memref<16x79x128xi32, #tpu.memory_space<hbm>> -> memref<1x79x128xi32, #tpu.memory_space<hbm>>
      %dma_wait3A_27 = tpu.memref_squeeze %dma_wait3A_26 : memref<1x79x128xi32, #tpu.memory_space<hbm>> -> memref<79x128xi32, #tpu.memory_space<hbm>>
      tpu.wait_dma2 semaphore(%run_scoped3A : memref<!tpu.dma_semaphore, #tpu.memory_space<semaphore_mem>>) src(%dma_wait3A_27 : memref<79x128xi32, #tpu.memory_space<hbm>>) dst(%arg8 : memref<79x128xi32, #tpu.memory_space<vmem>>)
      tpu.yield
    }) : () -> ()
    %barrier3A = arith.constant 0 : index
    tpu.barrier barrier_id(%barrier3A)
    %scan3A = arith.constant 0 : i32
    %scan3A_3 = arith.constant 0 : i32
    %scan3A_4 = arith.constant 79 : i32
    %scan3A_5 = arith.addi %scan3A_3, %scan3A_4 : i32
    %scan3A_6 = arith.constant 1 : i32
    %scan3A_7 = scf.for %scan3A_14 = %scan3A_3 to %scan3A_5 step %scan3A_6 iter_args(%scan3A_15 = %scan3A) -> (i32)  : i32 {
      %mul3A_16 = arith.constant 128 : i32
      %mul3A_17 = arith.muli %scan3A_14, %mul3A_16 : i32
      %dma_start3A = tpu.memref_slice %arg7[%mul3A_17] : memref<10112xi32, #tpu.memory_space<vmem>> -> memref<128xi32, #tpu.memory_space<vmem>>
      %dma_start3A_18 = arith.constant 0 : i32
      %dma_start3A_19 = arith.constant 0 : i32
      %dma_start3A_20 = tpu.memref_slice %arg2[%dma_start3A_18, %dma_start3A_19] : memref<20480x128xf32, #tpu.memory_space<hbm>> -> memref<20480x128xf32, #tpu.memory_space<hbm>>
      tpu.enqueue_indirect_dma source(%dma_start3A_20 : memref<20480x128xf32, #tpu.memory_space<hbm>>) target(%arg9 : memref<128x128xf32, #tpu.memory_space<vmem>>) offsets(%dma_start3A : memref<128xi32, #tpu.memory_space<vmem>>) semaphore(%arg11 : memref<!tpu.dma_semaphore, #tpu.memory_space<semaphore_mem>>)
      %dma_wait3A = tpu.memref_slice %arg7[%mul3A_17] : memref<10112xi32, #tpu.memory_space<vmem>> -> memref<128xi32, #tpu.memory_space<vmem>>
      %dma_wait3A_21 = arith.constant 0 : i32
      %dma_wait3A_22 = arith.constant 0 : i32
      %dma_wait3A_23 = tpu.memref_slice %arg2[%dma_wait3A_21, %dma_wait3A_22] : memref<20480x128xf32, #tpu.memory_space<hbm>> -> memref<20480x128xf32, #tpu.memory_space<hbm>>
      tpu.wait_indirect_dma semaphore(%arg11 : memref<!tpu.dma_semaphore, #tpu.memory_space<semaphore_mem>>) src(%dma_wait3A_23 : memref<20480x128xf32, #tpu.memory_space<hbm>>) dst(%arg9 : memref<128x128xf32, #tpu.memory_space<vmem>>)
      "tpu.region"() ({
        %run_scoped3A = tpu.sem_alloc : memref<!tpu.dma_semaphore, #tpu.memory_space<semaphore_mem>>
        %dma_start3A_25 = arith.constant 0 : i32
        %dma_start3A_26 = tpu.memref_slice %arg8[%scan3A_14, %dma_start3A_25] : memref<79x128xi32, #tpu.memory_space<vmem>> -> memref<1x128xi32, #tpu.memory_space<vmem>>
        %dma_start3A_27 = tpu.memref_squeeze %dma_start3A_26 : memref<1x128xi32, #tpu.memory_space<vmem>> -> memref<128xi32, #tpu.memory_space<vmem>>
        %dma_start3A_28 = arith.constant 0 : i32
        %dma_start3A_29 = arith.constant 0 : i32
        %dma_start3A_30 = tpu.memref_slice %arg10[%dma_start3A_28, %dma_start3A_29] : memref<10112x128xf32, #tpu.memory_space<vmem_shared>> -> memref<10112x128xf32, #tpu.memory_space<vmem_shared>>
        tpu.enqueue_indirect_dma source(%arg9 : memref<128x128xf32, #tpu.memory_space<vmem>>) target(%dma_start3A_30 : memref<10112x128xf32, #tpu.memory_space<vmem_shared>>) offsets(%dma_start3A_27 : memref<128xi32, #tpu.memory_space<vmem>>) semaphore(%run_scoped3A : memref<!tpu.dma_semaphore, #tpu.memory_space<semaphore_mem>>) {add = true}
        %dma_wait3A_31 = arith.constant 0 : i32
        %dma_wait3A_32 = tpu.memref_slice %arg8[%scan3A_14, %dma_wait3A_31] : memref<79x128xi32, #tpu.memory_space<vmem>> -> memref<1x128xi32, #tpu.memory_space<vmem>>
        %dma_wait3A_33 = tpu.memref_squeeze %dma_wait3A_32 : memref<1x128xi32, #tpu.memory_space<vmem>> -> memref<128xi32, #tpu.memory_space<vmem>>
        %dma_wait3A_34 = arith.constant 0 : i32
        %dma_wait3A_35 = arith.constant 0 : i32
        %dma_wait3A_36 = tpu.memref_slice %arg10[%dma_wait3A_34, %dma_wait3A_35] : memref<10112x128xf32, #tpu.memory_space<vmem_shared>> -> memref<10112x128xf32, #tpu.memory_space<vmem_shared>>
        tpu.wait_indirect_dma semaphore(%run_scoped3A : memref<!tpu.dma_semaphore, #tpu.memory_space<semaphore_mem>>) src(%arg9 : memref<128x128xf32, #tpu.memory_space<vmem>>) dst(%dma_wait3A_36 : memref<10112x128xf32, #tpu.memory_space<vmem_shared>>)
        tpu.yield
      }) : () -> ()
      %scan3A_24 = arith.constant 0 : i32
      scf.yield %scan3A_24 : i32
    }
    %scan3A_8 = arith.constant 79 : i32
    %barrier3A_9 = arith.constant 0 : index
    tpu.barrier barrier_id(%barrier3A_9)
    %mul3A_10 = arith.constant 632 : i32
    %mul3A_11 = arith.muli %arg1, %mul3A_10 : i32
    %mul3A_12 = arith.constant 632 : i32
    %mul3A_13 = arith.muli %arg1, %mul3A_12 : i32
    "tpu.region"() ({
      %run_scoped3A = tpu.sem_alloc : memref<!tpu.dma_semaphore, #tpu.memory_space<semaphore_mem>>
      %dma_start3A = arith.constant 0 : i32
      %dma_start3A_14 = tpu.memref_slice %arg6[%arg0, %mul3A_13, %dma_start3A] : memref<2x10112x128xf32, #tpu.memory_space<hbm>> -> memref<1x632x128xf32, #tpu.memory_space<hbm>>
      %dma_start3A_15 = tpu.memref_squeeze %dma_start3A_14 : memref<1x632x128xf32, #tpu.memory_space<hbm>> -> memref<632x128xf32, #tpu.memory_space<hbm>>
      %dma_start3A_16 = arith.constant 0 : i32
      %dma_start3A_17 = tpu.memref_slice %arg10[%mul3A_11, %dma_start3A_16] : memref<10112x128xf32, #tpu.memory_space<vmem_shared>> -> memref<632x128xf32, #tpu.memory_space<vmem_shared>>
      tpu.enqueue_dma source(%dma_start3A_17 : memref<632x128xf32, #tpu.memory_space<vmem_shared>>) target(%dma_start3A_15 : memref<632x128xf32, #tpu.memory_space<hbm>>) target_semaphore(%run_scoped3A : memref<!tpu.dma_semaphore, #tpu.memory_space<semaphore_mem>>)
      %dma_wait3A = arith.constant 0 : i32
      %dma_wait3A_18 = tpu.memref_slice %arg6[%arg0, %mul3A_13, %dma_wait3A] : memref<2x10112x128xf32, #tpu.memory_space<hbm>> -> memref<1x632x128xf32, #tpu.memory_space<hbm>>
      %dma_wait3A_19 = tpu.memref_squeeze %dma_wait3A_18 : memref<1x632x128xf32, #tpu.memory_space<hbm>> -> memref<632x128xf32, #tpu.memory_space<hbm>>
      %dma_wait3A_20 = arith.constant 0 : i32
      %dma_wait3A_21 = tpu.memref_slice %arg10[%mul3A_11, %dma_wait3A_20] : memref<10112x128xf32, #tpu.memory_space<vmem_shared>> -> memref<632x128xf32, #tpu.memory_space<vmem_shared>>
      tpu.wait_dma2 semaphore(%run_scoped3A : memref<!tpu.dma_semaphore, #tpu.memory_space<semaphore_mem>>) src(%dma_wait3A_21 : memref<632x128xf32, #tpu.memory_space<vmem_shared>>) dst(%dma_wait3A_19 : memref<632x128xf32, #tpu.memory_space<hbm>>)
      tpu.yield
    }) : () -> ()
    return
  }
}

module attributes {stable_mosaic.version = 14 : i64} {
  func.func @_stmt_body(%arg0: i32, %arg1: memref<1000x256xf32, #tpu.memory_space<vmem>>, %arg2: memref<256x256xf32, #tpu.memory_space<vmem>>, %arg3: memref<1x256xf32, #tpu.memory_space<vmem>>, %arg4: memref<1000x256xf32, #tpu.memory_space<vmem>>) attributes {dimension_semantics = [#tpu.dimension_semantics<arbitrary>], iteration_bounds = array<i64: 4>, scalar_prefetch = 0 : i64, scratch_operands = 0 : i64, tpu.core_type = #tpu.core_type<tc>, window_params = [{transform_indices = @transform_0, window_bounds = array<i64: 1000, 256>}, {pipeline_mode = #tpu.pipeline_mode<synchronous>, transform_indices = @transform_1, window_bounds = array<i64: 256, 256>}, {pipeline_mode = #tpu.pipeline_mode<synchronous>, transform_indices = @transform_2, window_bounds = array<i64: 1, 256>}, {transform_indices = @transform_3, window_bounds = array<i64: 1000, 256>}]} {
    %get3A = arith.constant 0 : index
    %get3A_0 = arith.constant 0 : index
    %get3A_1 = vector.load %arg1[%get3A, %get3A_0] : memref<1000x256xf32, #tpu.memory_space<vmem>>, vector<1000x256xf32>
    %get3A_2 = arith.constant 0 : index
    %get3A_3 = arith.constant 0 : index
    %get3A_4 = vector.load %arg2[%get3A_2, %get3A_3] : memref<256x256xf32, #tpu.memory_space<vmem>>, vector<256x256xf32>
    %dot_general3A = arith.constant dense<0.000000e+00> : vector<1000x256xf32>
    %dot_general3A_5 = tpu.matmul %get3A_1, %get3A_4, %dot_general3A {dimension_numbers = #tpu.dot_dimension_numbers<[1], [0], [0], [1], [0, 0, 1, 1], [], []>, transpose_lhs_hint = false} : vector<1000x256xf32>, vector<256x256xf32>, vector<1000x256xf32> -> vector<1000x256xf32>
    %get3A_6 = arith.constant 0 : index
    %get3A_7 = arith.constant 0 : index
    %get3A_8 = vector.load %arg3[%get3A_6, %get3A_7] : memref<1x256xf32, #tpu.memory_space<vmem>>, vector<1x256xf32>
    %add3A = vector.broadcast %get3A_8 : vector<1x256xf32> to vector<1000x256xf32>
    %add3A_9 = arith.addf %dot_general3A_5, %add3A : vector<1000x256xf32>
    %tanh3A = math.tanh %add3A_9 : vector<1000x256xf32>
    %swap3A = arith.constant 0 : index
    %swap3A_10 = arith.constant 0 : index
    %swap3A_11 = vector.load %arg4[%swap3A, %swap3A_10] : memref<1000x256xf32, #tpu.memory_space<vmem>>, vector<1000x256xf32>
    tpu.vector_store %arg4[%swap3A, %swap3A_10], %tanh3A {strides = array<i32>} : memref<1000x256xf32, #tpu.memory_space<vmem>>, vector<1000x256xf32>,
    return
  }
  func.func @transform_0(%arg0: i32) -> (i32, i32) {
    %c0_i32 = arith.constant 0 : i32
    %c0_i32_0 = arith.constant 0 : i32
    return %arg0, %c0_i32 : i32, i32
  }
  func.func @transform_1(%arg0: i32) -> (i32, i32) {
    %c0_i32 = arith.constant 0 : i32
    %c0_i32_0 = arith.constant 0 : i32
    %c0_i32_1 = arith.constant 0 : i32
    return %c0_i32, %c0_i32_0 : i32, i32
  }
  func.func @transform_2(%arg0: i32) -> (i32, i32) {
    %c0_i32 = arith.constant 0 : i32
    %c0_i32_0 = arith.constant 0 : i32
    %c0_i32_1 = arith.constant 0 : i32
    return %c0_i32, %c0_i32_0 : i32, i32
  }
  func.func @transform_3(%arg0: i32) -> (i32, i32) {
    %c0_i32 = arith.constant 0 : i32
    %c0_i32_0 = arith.constant 0 : i32
    return %arg0, %c0_i32 : i32, i32
  }
}

module attributes {stable_mosaic.version = 14 : i64} {
  func.func @_h_body(%arg0: i32, %arg1: memref<1x1000x128xf32, #tpu.memory_space<vmem>>, %arg2: memref<1x1000x128xf32, #tpu.memory_space<vmem>>, %arg3: memref<1x1000x128xf32, #tpu.memory_space<vmem>>, %arg4: memref<1x1000x128xf32, #tpu.memory_space<vmem>>, %arg5: memref<1000x1xf32, #tpu.memory_space<vmem>>, %arg6: memref<1x64xi32, #tpu.memory_space<vmem>>, %arg7: memref<256x256xf32, #tpu.memory_space<vmem>>, %arg8: memref<256x256xf32, #tpu.memory_space<vmem>>, %arg9: memref<1000x256xf32, #tpu.memory_space<vmem>>, %arg10: memref<64x256xf32, #tpu.memory_space<vmem>>, %arg11: memref<64x256xf32, #tpu.memory_space<vmem>>) attributes {dimension_semantics = [#tpu.dimension_semantics<arbitrary>], iteration_bounds = array<i64: 10>, scalar_prefetch = 0 : i64, scratch_operands = 1 : i64, tpu.core_type = #tpu.core_type<tc>, window_params = [{transform_indices = @transform_0, window_bounds = array<i64: 1, 1000, 128>}, {transform_indices = @transform_1, window_bounds = array<i64: 1, 1000, 128>}, {transform_indices = @transform_2, window_bounds = array<i64: 1, 1000, 128>}, {transform_indices = @transform_3, window_bounds = array<i64: 1, 1000, 128>}, {transform_indices = @transform_4, window_bounds = array<i64: 1000, 1>}, {pipeline_mode = #tpu.pipeline_mode<synchronous>, transform_indices = @transform_5, window_bounds = array<i64: 1, 64>}, {pipeline_mode = #tpu.pipeline_mode<synchronous>, transform_indices = @transform_6, window_bounds = array<i64: 256, 256>}, {pipeline_mode = #tpu.pipeline_mode<synchronous>, transform_indices = @transform_7, window_bounds = array<i64: 256, 256>}, {transform_indices = @transform_8, window_bounds = array<i64: 1000, 256>}, {pipeline_mode = #tpu.pipeline_mode<synchronous>, transform_indices = @transform_9, window_bounds = array<i64: 64, 256>}]} {
    %eq3A = arith.constant 0 : i32
    %eq3A_0 = arith.cmpi eq, %arg0, %eq3A : i32
    %convert_element_type3A = arith.extui %eq3A_0 : i1 to i32
    %cond3A = arith.constant 0 : i32
    %cond3A_1 = arith.cmpi ne, %convert_element_type3A, %cond3A : i32
    scf.if %cond3A_1 {
      %broadcast_in_dim3A = arith.constant 0.000000e+00 : f32
      %broadcast_in_dim3A_76 = vector.broadcast %broadcast_in_dim3A : f32 to vector<64x256xf32>
      %swap3A_77 = arith.constant 0 : index
      %swap3A_78 = arith.constant 0 : index
      %swap3A_79 = vector.load %arg11[%swap3A_77, %swap3A_78] : memref<64x256xf32, #tpu.memory_space<vmem>>, vector<64x256xf32>
      tpu.vector_store %arg11[%swap3A_77, %swap3A_78], %broadcast_in_dim3A_76 {strides = array<i32>} : memref<64x256xf32, #tpu.memory_space<vmem>>, vector<64x256xf32>,
    } else {
    }
    %get3A = arith.constant 0 : index
    %get3A_2 = arith.constant 0 : index
    %get3A_3 = arith.constant 0 : index
    %get3A_4 = vector.load %arg1[%get3A, %get3A_2, %get3A_3] : memref<1x1000x128xf32, #tpu.memory_space<vmem>>, vector<1x1000x128xf32>
    %get3A_5 = vector.shape_cast %get3A_4 : vector<1x1000x128xf32> to vector<1000x128xf32>
    %get3A_6 = arith.constant 0 : index
    %get3A_7 = arith.constant 0 : index
    %get3A_8 = arith.constant 0 : index
    %get3A_9 = vector.load %arg2[%get3A_6, %get3A_7, %get3A_8] : memref<1x1000x128xf32, #tpu.memory_space<vmem>>, vector<1x1000x128xf32>
    %get3A_10 = vector.shape_cast %get3A_9 : vector<1x1000x128xf32> to vector<1000x128xf32>
    %get3A_11 = arith.constant 0 : index
    %get3A_12 = arith.constant 0 : index
    %get3A_13 = arith.constant 0 : index
    %get3A_14 = vector.load %arg3[%get3A_11, %get3A_12, %get3A_13] : memref<1x1000x128xf32, #tpu.memory_space<vmem>>, vector<1x1000x128xf32>
    %get3A_15 = vector.shape_cast %get3A_14 : vector<1x1000x128xf32> to vector<1000x128xf32>
    %get3A_16 = arith.constant 0 : index
    %get3A_17 = arith.constant 0 : index
    %get3A_18 = arith.constant 0 : index
    %get3A_19 = vector.load %arg4[%get3A_16, %get3A_17, %get3A_18] : memref<1x1000x128xf32, #tpu.memory_space<vmem>>, vector<1x1000x128xf32>
    %get3A_20 = vector.shape_cast %get3A_19 : vector<1x1000x128xf32> to vector<1000x128xf32>
    %get3A_21 = arith.constant 0 : index
    %get3A_22 = arith.constant 0 : index
    %get3A_23 = vector.load %arg5[%get3A_21, %get3A_22] : memref<1000x1xf32, #tpu.memory_space<vmem>>, vector<1000x1xf32>
    %jit3A = arith.constant 1.000000e+00 : f32
    %max3A = vector.broadcast %jit3A : f32 to vector<1000x1xf32>
    %max3A_24 = arith.maximumf %max3A, %get3A_23 : vector<1000x1xf32>
    %div3A = arith.constant 1.000000e+00 : f32
    %div3A_25 = vector.broadcast %div3A : f32 to vector<1000x1xf32>
    %div3A_26 = arith.divf %div3A_25, %max3A_24 : vector<1000x1xf32>
    %get3A_27 = arith.constant 0 : index
    %get3A_28 = arith.constant 0 : index
    %get3A_29 = vector.load %arg7[%get3A_27, %get3A_28] : memref<256x256xf32, #tpu.memory_space<vmem>>, vector<256x256xf32>
    %get3A_30 = arith.constant 0 : index
    %get3A_31 = arith.constant 0 : index
    %get3A_32 = vector.load %arg8[%get3A_30, %get3A_31] : memref<256x256xf32, #tpu.memory_space<vmem>>, vector<256x256xf32>
    %slice3A = vector.extract_strided_slice %get3A_32 {offsets = [0, 0], sizes = [128, 256], strides = [1, 1]} : vector<256x256xf32> to vector<128x256xf32>
    %dot_general3A = arith.constant dense<0.000000e+00> : vector<1000x256xf32>
    %dot_general3A_33 = tpu.matmul %get3A_15, %slice3A, %dot_general3A {dimension_numbers = #tpu.dot_dimension_numbers<[1], [0], [0], [1], [0, 0, 1, 1], [], []>, transpose_lhs_hint = false} : vector<1000x128xf32>, vector<128x256xf32>, vector<1000x256xf32> -> vector<1000x256xf32>
    %slice3A_34 = vector.extract_strided_slice %get3A_32 {offsets = [128, 0], sizes = [128, 256], strides = [1, 1]} : vector<256x256xf32> to vector<128x256xf32>
    %dot_general3A_35 = arith.constant dense<0.000000e+00> : vector<1000x256xf32>
    %dot_general3A_36 = tpu.matmul %get3A_20, %slice3A_34, %dot_general3A_35 {dimension_numbers = #tpu.dot_dimension_numbers<[1], [0], [0], [1], [0, 0, 1, 1], [], []>, transpose_lhs_hint = false} : vector<1000x128xf32>, vector<128x256xf32>, vector<1000x256xf32> -> vector<1000x256xf32>
    %add3A = arith.addf %dot_general3A_33, %dot_general3A_36 : vector<1000x256xf32>
    %mul3A = vector.broadcast %div3A_26 : vector<1000x1xf32> to vector<1000x256xf32>
    %mul3A_37 = arith.mulf %add3A, %mul3A : vector<1000x256xf32>
    %slice3A_38 = vector.extract_strided_slice %get3A_29 {offsets = [0, 0], sizes = [128, 256], strides = [1, 1]} : vector<256x256xf32> to vector<128x256xf32>
    %dot_general3A_39 = arith.constant dense<0.000000e+00> : vector<1000x256xf32>
    %dot_general3A_40 = tpu.matmul %get3A_5, %slice3A_38, %dot_general3A_39 {dimension_numbers = #tpu.dot_dimension_numbers<[1], [0], [0], [1], [0, 0, 1, 1], [], []>, transpose_lhs_hint = false} : vector<1000x128xf32>, vector<128x256xf32>, vector<1000x256xf32> -> vector<1000x256xf32>
    %slice3A_41 = vector.extract_strided_slice %get3A_29 {offsets = [128, 0], sizes = [128, 256], strides = [1, 1]} : vector<256x256xf32> to vector<128x256xf32>
    %dot_general3A_42 = arith.constant dense<0.000000e+00> : vector<1000x256xf32>
    %dot_general3A_43 = tpu.matmul %get3A_10, %slice3A_41, %dot_general3A_42 {dimension_numbers = #tpu.dot_dimension_numbers<[1], [0], [0], [1], [0, 0, 1, 1], [], []>, transpose_lhs_hint = false} : vector<1000x128xf32>, vector<128x256xf32>, vector<1000x256xf32> -> vector<1000x256xf32>
    %add3A_44 = arith.addf %dot_general3A_40, %dot_general3A_43 : vector<1000x256xf32>
    %add3A_45 = arith.addf %add3A_44, %mul3A_37 : vector<1000x256xf32>
    %max3A_46 = arith.constant 0.000000e+00 : f32
    %max3A_47 = vector.broadcast %max3A_46 : f32 to vector<1000x256xf32>
    %max3A_48 = arith.maximumf %add3A_45, %max3A_47 : vector<1000x256xf32>
    %swap3A = arith.constant 0 : index
    %swap3A_49 = arith.constant 0 : index
    %swap3A_50 = vector.load %arg9[%swap3A, %swap3A_49] : memref<1000x256xf32, #tpu.memory_space<vmem>>, vector<1000x256xf32>
    tpu.vector_store %arg9[%swap3A, %swap3A_49], %max3A_48 {strides = array<i32>} : memref<1000x256xf32, #tpu.memory_space<vmem>>, vector<1000x256xf32>,
    %iota3A = tpu.iota {dimensions = array<i32: 0>} : vector<1000x64xi32>
    %mul3A_51 = arith.constant 1000 : i32
    %mul3A_52 = arith.muli %arg0, %mul3A_51 : i32
    %add3A_53 = vector.broadcast %mul3A_52 : i32 to vector<1000x64xi32>
    %add3A_54 = arith.addi %iota3A, %add3A_53 : vector<1000x64xi32>
    %get3A_55 = arith.constant 0 : index
    %get3A_56 = arith.constant 0 : index
    %get3A_57 = vector.load %arg6[%get3A_55, %get3A_56] : memref<1x64xi32, #tpu.memory_space<vmem>>, vector<1x64xi32>
    %eq3A_58 = vector.broadcast %get3A_57 : vector<1x64xi32> to vector<1000x64xi32>
    %eq3A_59 = arith.cmpi eq, %add3A_54, %eq3A_58 : vector<1000x64xi32>
    %convert_element_type3A_60 = arith.extui %eq3A_59 : vector<1000x64xi1> to vector<1000x64xi32>
    %convert_element_type3A_61 = arith.sitofp %convert_element_type3A_60 : vector<1000x64xi32> to vector<1000x64xf32>
    %get3A_62 = arith.constant 0 : index
    %get3A_63 = arith.constant 0 : index
    %get3A_64 = vector.load %arg11[%get3A_62, %get3A_63] : memref<64x256xf32, #tpu.memory_space<vmem>>, vector<64x256xf32>
    %dot_general3A_65 = arith.constant dense<0.000000e+00> : vector<64x256xf32>
    %dot_general3A_66 = tpu.matmul %convert_element_type3A_61, %max3A_48, %dot_general3A_65 {dimension_numbers = #tpu.dot_dimension_numbers<[0], [0], [1], [1], [0, 1, 1, 1], [], []>, transpose_lhs_hint = false} : vector<1000x64xf32>, vector<1000x256xf32>, vector<64x256xf32> -> vector<64x256xf32>
    %add3A_67 = arith.addf %get3A_64, %dot_general3A_66 : vector<64x256xf32>
    %swap3A_68 = arith.constant 0 : index
    %swap3A_69 = arith.constant 0 : index
    %swap3A_70 = vector.load %arg11[%swap3A_68, %swap3A_69] : memref<64x256xf32, #tpu.memory_space<vmem>>, vector<64x256xf32>
    tpu.vector_store %arg11[%swap3A_68, %swap3A_69], %add3A_67 {strides = array<i32>} : memref<64x256xf32, #tpu.memory_space<vmem>>, vector<64x256xf32>,
    %eq3A_71 = arith.constant 9 : i32
    %eq3A_72 = arith.cmpi eq, %arg0, %eq3A_71 : i32
    %convert_element_type3A_73 = arith.extui %eq3A_72 : i1 to i32
    %cond3A_74 = arith.constant 0 : i32
    %cond3A_75 = arith.cmpi ne, %convert_element_type3A_73, %cond3A_74 : i32
    scf.if %cond3A_75 {
      %get3A_76 = arith.constant 0 : index
      %get3A_77 = arith.constant 0 : index
      %get3A_78 = vector.load %arg11[%get3A_76, %get3A_77] : memref<64x256xf32, #tpu.memory_space<vmem>>, vector<64x256xf32>
      %swap3A_79 = arith.constant 0 : index
      %swap3A_80 = arith.constant 0 : index
      %swap3A_81 = vector.load %arg10[%swap3A_79, %swap3A_80] : memref<64x256xf32, #tpu.memory_space<vmem>>, vector<64x256xf32>
      tpu.vector_store %arg10[%swap3A_79, %swap3A_80], %get3A_78 {strides = array<i32>} : memref<64x256xf32, #tpu.memory_space<vmem>>, vector<64x256xf32>,
    } else {
    }
    return
  }
  func.func @transform_0(%arg0: i32) -> (i32, i32, i32) {
    %c0_i32 = arith.constant 0 : i32
    %c0_i32_0 = arith.constant 0 : i32
    %c0_i32_1 = arith.constant 0 : i32
    return %c0_i32, %arg0, %c0_i32_0 : i32, i32, i32
  }
  func.func @transform_1(%arg0: i32) -> (i32, i32, i32) {
    %c1_i32 = arith.constant 1 : i32
    %c0_i32 = arith.constant 0 : i32
    %c0_i32_0 = arith.constant 0 : i32
    return %c1_i32, %arg0, %c0_i32 : i32, i32, i32
  }
  func.func @transform_2(%arg0: i32) -> (i32, i32, i32) {
    %c0_i32 = arith.constant 0 : i32
    %c0_i32_0 = arith.constant 0 : i32
    %c0_i32_1 = arith.constant 0 : i32
    return %c0_i32, %arg0, %c0_i32_0 : i32, i32, i32
  }
  func.func @transform_3(%arg0: i32) -> (i32, i32, i32) {
    %c1_i32 = arith.constant 1 : i32
    %c0_i32 = arith.constant 0 : i32
    %c0_i32_0 = arith.constant 0 : i32
    return %c1_i32, %arg0, %c0_i32 : i32, i32, i32
  }
  func.func @transform_4(%arg0: i32) -> (i32, i32) {
    %c0_i32 = arith.constant 0 : i32
    %c0_i32_0 = arith.constant 0 : i32
    return %arg0, %c0_i32 : i32, i32
  }
  func.func @transform_5(%arg0: i32) -> (i32, i32) {
    %c0_i32 = arith.constant 0 : i32
    %c0_i32_0 = arith.constant 0 : i32
    %c0_i32_1 = arith.constant 0 : i32
    return %c0_i32, %c0_i32_0 : i32, i32
  }
  func.func @transform_6(%arg0: i32) -> (i32, i32) {
    %c0_i32 = arith.constant 0 : i32
    %c0_i32_0 = arith.constant 0 : i32
    %c0_i32_1 = arith.constant 0 : i32
    return %c0_i32, %c0_i32_0 : i32, i32
  }
  func.func @transform_7(%arg0: i32) -> (i32, i32) {
    %c0_i32 = arith.constant 0 : i32
    %c0_i32_0 = arith.constant 0 : i32
    %c0_i32_1 = arith.constant 0 : i32
    return %c0_i32, %c0_i32_0 : i32, i32
  }
  func.func @transform_8(%arg0: i32) -> (i32, i32) {
    %c0_i32 = arith.constant 0 : i32
    %c0_i32_0 = arith.constant 0 : i32
    return %arg0, %c0_i32 : i32, i32
  }
  func.func @transform_9(%arg0: i32) -> (i32, i32) {
    %c0_i32 = arith.constant 0 : i32
    %c0_i32_0 = arith.constant 0 : i32
    %c0_i32_1 = arith.constant 0 : i32
    return %c0_i32, %c0_i32_0 : i32, i32
  }
}

module attributes {stable_mosaic.version = 14 : i64} {
  func.func @_pool_body(%arg0: i32, %arg1: memref<1000x256xf32, #tpu.memory_space<vmem>>, %arg2: memref<64x256xf32, #tpu.memory_space<vmem>>, %arg3: memref<1000x1xi32, #tpu.memory_space<vmem>>, %arg4: memref<256x256xf32, #tpu.memory_space<vmem>>, %arg5: memref<256x1xf32, #tpu.memory_space<vmem>>, %arg6: memref<256x1xf32, #tpu.memory_space<vmem>>, %arg7: memref<1x1xf32, #tpu.memory_space<vmem>>, %arg8: memref<1x32xf32, #tpu.memory_space<vmem>>, %arg9: memref<1x64xf32, #tpu.memory_space<vmem>>, %arg10: memref<1x64xf32, #tpu.memory_space<vmem>>, %arg11: memref<256x64xf32, #tpu.memory_space<vmem>>) attributes {dimension_semantics = [#tpu.dimension_semantics<arbitrary>], iteration_bounds = array<i64: 10>, scalar_prefetch = 0 : i64, scratch_operands = 3 : i64, tpu.core_type = #tpu.core_type<tc>, window_params = [{transform_indices = @transform_0, window_bounds = array<i64: 1000, 256>}, {pipeline_mode = #tpu.pipeline_mode<synchronous>, transform_indices = @transform_1, window_bounds = array<i64: 64, 256>}, {transform_indices = @transform_2, window_bounds = array<i64: 1000, 1>}, {pipeline_mode = #tpu.pipeline_mode<synchronous>, transform_indices = @transform_3, window_bounds = array<i64: 256, 256>}, {pipeline_mode = #tpu.pipeline_mode<synchronous>, transform_indices = @transform_4, window_bounds = array<i64: 256, 1>}, {pipeline_mode = #tpu.pipeline_mode<synchronous>, transform_indices = @transform_5, window_bounds = array<i64: 256, 1>}, {pipeline_mode = #tpu.pipeline_mode<synchronous>, transform_indices = @transform_6, window_bounds = array<i64: 1, 1>}, {pipeline_mode = #tpu.pipeline_mode<synchronous>, transform_indices = @transform_7, window_bounds = array<i64: 1, 32>}]} {
    %eq3A = arith.constant 0 : i32
    %eq3A_0 = arith.cmpi eq, %arg0, %eq3A : i32
    %convert_element_type3A = arith.extui %eq3A_0 : i1 to i32
    %cond3A = arith.constant 0 : i32
    %cond3A_1 = arith.cmpi ne, %convert_element_type3A, %cond3A : i32
    scf.if %cond3A_1 {
      %broadcast_in_dim3A_66 = arith.constant -1.000000e+30 : f32
      %broadcast_in_dim3A_67 = vector.broadcast %broadcast_in_dim3A_66 : f32 to vector<1x64xf32>
      %swap3A_68 = arith.constant 0 : index
      %swap3A_69 = arith.constant 0 : index
      %swap3A_70 = vector.load %arg9[%swap3A_68, %swap3A_69] : memref<1x64xf32, #tpu.memory_space<vmem>>, vector<1x64xf32>
      tpu.vector_store %arg9[%swap3A_68, %swap3A_69], %broadcast_in_dim3A_67 {strides = array<i32>} : memref<1x64xf32, #tpu.memory_space<vmem>>, vector<1x64xf32>,
      %broadcast_in_dim3A_71 = arith.constant 0.000000e+00 : f32
      %broadcast_in_dim3A_72 = vector.broadcast %broadcast_in_dim3A_71 : f32 to vector<1x64xf32>
      %swap3A_73 = arith.constant 0 : index
      %swap3A_74 = arith.constant 0 : index
      %swap3A_75 = vector.load %arg10[%swap3A_73, %swap3A_74] : memref<1x64xf32, #tpu.memory_space<vmem>>, vector<1x64xf32>
      tpu.vector_store %arg10[%swap3A_73, %swap3A_74], %broadcast_in_dim3A_72 {strides = array<i32>} : memref<1x64xf32, #tpu.memory_space<vmem>>, vector<1x64xf32>,
      %broadcast_in_dim3A_76 = arith.constant 0.000000e+00 : f32
      %broadcast_in_dim3A_77 = vector.broadcast %broadcast_in_dim3A_76 : f32 to vector<256x64xf32>
      %swap3A_78 = arith.constant 0 : index
      %swap3A_79 = arith.constant 0 : index
      %swap3A_80 = vector.load %arg11[%swap3A_78, %swap3A_79] : memref<256x64xf32, #tpu.memory_space<vmem>>, vector<256x64xf32>
      tpu.vector_store %arg11[%swap3A_78, %swap3A_79], %broadcast_in_dim3A_77 {strides = array<i32>} : memref<256x64xf32, #tpu.memory_space<vmem>>, vector<256x64xf32>,
    } else {
    }
    %get3A = arith.constant 0 : index
    %get3A_2 = arith.constant 0 : index
    %get3A_3 = vector.load %arg1[%get3A, %get3A_2] : memref<1000x256xf32, #tpu.memory_space<vmem>>, vector<1000x256xf32>
    %iota3A = tpu.iota {dimensions = array<i32: 1>} : vector<1000x64xi32>
    %get3A_4 = arith.constant 0 : index
    %get3A_5 = arith.constant 0 : index
    %get3A_6 = vector.load %arg3[%get3A_4, %get3A_5] : memref<1000x1xi32, #tpu.memory_space<vmem>>, vector<1000x1xi32>
    %eq3A_7 = vector.broadcast %get3A_6 : vector<1000x1xi32> to vector<1000x64xi32>
    %eq3A_8 = arith.cmpi eq, %iota3A, %eq3A_7 : vector<1000x64xi32>
    %convert_element_type3A_9 = arith.extui %eq3A_8 : vector<1000x64xi1> to vector<1000x64xi32>
    %convert_element_type3A_10 = arith.sitofp %convert_element_type3A_9 : vector<1000x64xi32> to vector<1000x64xf32>
    %get3A_11 = arith.constant 0 : index
    %get3A_12 = arith.constant 0 : index
    %get3A_13 = vector.load %arg2[%get3A_11, %get3A_12] : memref<64x256xf32, #tpu.memory_space<vmem>>, vector<64x256xf32>
    %dot_general3A = arith.constant dense<0.000000e+00> : vector<1000x256xf32>
    %dot_general3A_14 = tpu.matmul %convert_element_type3A_10, %get3A_13, %dot_general3A {dimension_numbers = #tpu.dot_dimension_numbers<[1], [0], [0], [1], [0, 0, 1, 1], [], []>, transpose_lhs_hint = false} : vector<1000x64xf32>, vector<64x256xf32>, vector<1000x256xf32> -> vector<1000x256xf32>
    %mul3A = arith.mulf %get3A_3, %dot_general3A_14 : vector<1000x256xf32>
    %reduce_sum3A = arith.constant dense<0.000000e+00> : vector<1000xf32>
    %reduce_sum3A_15 = vector.multi_reduction <add>, %mul3A, %reduce_sum3A [1] : vector<1000x256xf32> to vector<1000xf32>
    %broadcast_in_dim3A = vector.shape_cast %reduce_sum3A_15 : vector<1000xf32> to vector<1000x1xf32>
    %div3A = arith.constant 1.600000e+01 : f32
    %div3A_16 = vector.broadcast %div3A : f32 to vector<1000x1xf32>
    %div3A_17 = arith.divf %broadcast_in_dim3A, %div3A_16 : vector<1000x1xf32>
    %gt3A = arith.constant 0.000000e+00 : f32
    %gt3A_18 = vector.broadcast %gt3A : f32 to vector<1000x64xf32>
    %gt3A_19 = arith.cmpf ogt, %convert_element_type3A_10, %gt3A_18 : vector<1000x64xf32>
    %jit3A = arith.constant -1.000000e+30 : f32
    %broadcast_in_dim3A_20 = vector.shape_cast %div3A_17 : vector<1000x1xf32> to vector<1000x1xf32>
    %broadcast_in_dim3A_21 = vector.broadcast %broadcast_in_dim3A_20 : vector<1000x1xf32> to vector<1000x64xf32>
    %broadcast_in_dim3A_22 = vector.broadcast %jit3A : f32 to vector<1000x64xf32>
    %select_n3A = arith.select %gt3A_19, %broadcast_in_dim3A_21, %broadcast_in_dim3A_22 : vector<1000x64xi1>, vector<1000x64xf32>
    %reduce_max3A = arith.constant dense<0xFF800000> : vector<64xf32>
    %reduce_max3A_23 = vector.multi_reduction <maximumf>, %select_n3A, %reduce_max3A [0] : vector<1000x64xf32> to vector<64xf32>
    %broadcast_in_dim3A_24 = vector.shape_cast %reduce_max3A_23 : vector<64xf32> to vector<1x64xf32>
    %get3A_25 = arith.constant 0 : index
    %get3A_26 = arith.constant 0 : index
    %get3A_27 = vector.load %arg9[%get3A_25, %get3A_26] : memref<1x64xf32, #tpu.memory_space<vmem>>, vector<1x64xf32>
    %max3A = arith.maximumf %get3A_27, %broadcast_in_dim3A_24 : vector<1x64xf32>
    %sub3A = arith.subf %get3A_27, %max3A : vector<1x64xf32>
    %exp3A = math.exp %sub3A : vector<1x64xf32>
    %gt3A_28 = arith.constant 0.000000e+00 : f32
    %gt3A_29 = vector.broadcast %gt3A_28 : f32 to vector<1000x64xf32>
    %gt3A_30 = arith.cmpf ogt, %convert_element_type3A_10, %gt3A_29 : vector<1000x64xf32>
    %sub3A_31 = vector.broadcast %div3A_17 : vector<1000x1xf32> to vector<1000x64xf32>
    %sub3A_32 = vector.broadcast %max3A : vector<1x64xf32> to vector<1000x64xf32>
    %sub3A_33 = arith.subf %sub3A_31, %sub3A_32 : vector<1000x64xf32>
    %jit3A_34 = arith.constant -1.000000e+30 : f32
    %broadcast_in_dim3A_35 = vector.broadcast %jit3A_34 : f32 to vector<1000x64xf32>
    %select_n3A_36 = arith.select %gt3A_30, %sub3A_33, %broadcast_in_dim3A_35 : vector<1000x64xi1>, vector<1000x64xf32>
    %exp3A_37 = math.exp %select_n3A_36 : vector<1000x64xf32>
    %get3A_38 = arith.constant 0 : index
    %get3A_39 = arith.constant 0 : index
    %get3A_40 = vector.load %arg10[%get3A_38, %get3A_39] : memref<1x64xf32, #tpu.memory_space<vmem>>, vector<1x64xf32>
    %mul3A_41 = arith.mulf %get3A_40, %exp3A : vector<1x64xf32>
    %reduce_sum3A_42 = arith.constant dense<0.000000e+00> : vector<64xf32>
    %reduce_sum3A_43 = vector.multi_reduction <add>, %exp3A_37, %reduce_sum3A_42 [0] : vector<1000x64xf32> to vector<64xf32>
    %broadcast_in_dim3A_44 = vector.shape_cast %reduce_sum3A_43 : vector<64xf32> to vector<1x64xf32>
    %add3A = arith.addf %mul3A_41, %broadcast_in_dim3A_44 : vector<1x64xf32>
    %swap3A = arith.constant 0 : index
    %swap3A_45 = arith.constant 0 : index
    %swap3A_46 = vector.load %arg10[%swap3A, %swap3A_45] : memref<1x64xf32, #tpu.memory_space<vmem>>, vector<1x64xf32>
    tpu.vector_store %arg10[%swap3A, %swap3A_45], %add3A {strides = array<i32>} : memref<1x64xf32, #tpu.memory_space<vmem>>, vector<1x64xf32>,
    %get3A_47 = arith.constant 0 : index
    %get3A_48 = arith.constant 0 : index
    %get3A_49 = vector.load %arg11[%get3A_47, %get3A_48] : memref<256x64xf32, #tpu.memory_space<vmem>>, vector<256x64xf32>
    %mul3A_50 = vector.broadcast %exp3A : vector<1x64xf32> to vector<256x64xf32>
    %mul3A_51 = arith.mulf %get3A_49, %mul3A_50 : vector<256x64xf32>
    %dot_general3A_52 = arith.constant dense<0.000000e+00> : vector<256x64xf32>
    %dot_general3A_53 = tpu.matmul %get3A_3, %exp3A_37, %dot_general3A_52 {dimension_numbers = #tpu.dot_dimension_numbers<[0], [0], [1], [1], [0, 1, 1, 1], [], []>, transpose_lhs_hint = false} : vector<1000x256xf32>, vector<1000x64xf32>, vector<256x64xf32> -> vector<256x64xf32>
    %add3A_54 = arith.addf %mul3A_51, %dot_general3A_53 : vector<256x64xf32>
    %swap3A_55 = arith.constant 0 : index
    %swap3A_56 = arith.constant 0 : index
    %swap3A_57 = vector.load %arg11[%swap3A_55, %swap3A_56] : memref<256x64xf32, #tpu.memory_space<vmem>>, vector<256x64xf32>
    tpu.vector_store %arg11[%swap3A_55, %swap3A_56], %add3A_54 {strides = array<i32>} : memref<256x64xf32, #tpu.memory_space<vmem>>, vector<256x64xf32>,
    %swap3A_58 = arith.constant 0 : index
    %swap3A_59 = arith.constant 0 : index
    %swap3A_60 = vector.load %arg9[%swap3A_58, %swap3A_59] : memref<1x64xf32, #tpu.memory_space<vmem>>, vector<1x64xf32>
    tpu.vector_store %arg9[%swap3A_58, %swap3A_59], %max3A {strides = array<i32>} : memref<1x64xf32, #tpu.memory_space<vmem>>, vector<1x64xf32>,
    %eq3A_61 = arith.constant 9 : i32
    %eq3A_62 = arith.cmpi eq, %arg0, %eq3A_61 : i32
    %convert_element_type3A_63 = arith.extui %eq3A_62 : i1 to i32
    %cond3A_64 = arith.constant 0 : i32
    %cond3A_65 = arith.cmpi ne, %convert_element_type3A_63, %cond3A_64 : i32
    scf.if %cond3A_65 {
      %get3A_66 = arith.constant 0 : index
      %get3A_67 = arith.constant 0 : index
      %get3A_68 = vector.load %arg4[%get3A_66, %get3A_67] : memref<256x256xf32, #tpu.memory_space<vmem>>, vector<256x256xf32>
      %get3A_69 = arith.constant 0 : index
      %get3A_70 = arith.constant 0 : index
      %get3A_71 = vector.load %arg11[%get3A_69, %get3A_70] : memref<256x64xf32, #tpu.memory_space<vmem>>, vector<256x64xf32>
      %get3A_72 = arith.constant 0 : index
      %get3A_73 = arith.constant 0 : index
      %get3A_74 = vector.load %arg10[%get3A_72, %get3A_73] : memref<1x64xf32, #tpu.memory_space<vmem>>, vector<1x64xf32>
      %div3A_75 = vector.broadcast %get3A_74 : vector<1x64xf32> to vector<256x64xf32>
      %div3A_76 = arith.divf %get3A_71, %div3A_75 : vector<256x64xf32>
      %dot_general3A_77 = arith.constant dense<0.000000e+00> : vector<256x64xf32>
      %dot_general3A_78 = tpu.matmul %get3A_68, %div3A_76, %dot_general3A_77 {dimension_numbers = #tpu.dot_dimension_numbers<[0], [0], [1], [1], [0, 1, 1, 1], [], []>, transpose_lhs_hint = false} : vector<256x256xf32>, vector<256x64xf32>, vector<256x64xf32> -> vector<256x64xf32>
      %get3A_79 = arith.constant 0 : index
      %get3A_80 = arith.constant 0 : index
      %get3A_81 = vector.load %arg5[%get3A_79, %get3A_80] : memref<256x1xf32, #tpu.memory_space<vmem>>, vector<256x1xf32>
      %add3A_82 = vector.broadcast %get3A_81 : vector<256x1xf32> to vector<256x64xf32>
      %add3A_83 = arith.addf %dot_general3A_78, %add3A_82 : vector<256x64xf32>
      %slice3A = vector.extract_strided_slice %add3A_83 {offsets = [0, 0], sizes = [256, 32], strides = [1, 1]} : vector<256x64xf32> to vector<256x32xf32>
      %slice3A_84 = vector.extract_strided_slice %add3A_83 {offsets = [0, 32], sizes = [256, 32], strides = [1, 1]} : vector<256x64xf32> to vector<256x32xf32>
      %sub3A_85 = arith.subf %slice3A, %slice3A_84 : vector<256x32xf32>
      %abs3A = math.absf %sub3A_85 : vector<256x32xf32>
      %get3A_86 = arith.constant 0 : index
      %get3A_87 = arith.constant 0 : index
      %get3A_88 = vector.load %arg6[%get3A_86, %get3A_87] : memref<256x1xf32, #tpu.memory_space<vmem>>, vector<256x1xf32>
      %dot_general3A_89 = arith.constant dense<0.000000e+00> : vector<1x32xf32>
      %dot_general3A_90 = tpu.matmul %get3A_88, %abs3A, %dot_general3A_89 {dimension_numbers = #tpu.dot_dimension_numbers<[0], [0], [1], [1], [0, 1, 1, 1], [], []>, transpose_lhs_hint = false} : vector<256x1xf32>, vector<256x32xf32>, vector<1x32xf32> -> vector<1x32xf32>
      %get3A_91 = arith.constant 0 : index
      %get3A_92 = arith.constant 0 : index
      %get3A_93 = vector.load %arg7[%get3A_91, %get3A_92] : memref<1x1xf32, #tpu.memory_space<vmem>>, vector<1x1xf32>
      %add3A_94 = vector.broadcast %get3A_93 : vector<1x1xf32> to vector<1x32xf32>
      %add3A_95 = arith.addf %dot_general3A_90, %add3A_94 : vector<1x32xf32>
      %logistic3A = arith.negf %add3A_95 : vector<1x32xf32>
      %logistic3A_96 = math.exp %logistic3A : vector<1x32xf32>
      %logistic3A_97 = arith.constant 1.000000e+00 : f32
      %logistic3A_98 = vector.broadcast %logistic3A_97 : f32 to vector<1x32xf32>
      %logistic3A_99 = arith.addf %logistic3A_98, %logistic3A_96 : vector<1x32xf32>
      %logistic3A_100 = arith.divf %logistic3A_98, %logistic3A_99 : vector<1x32xf32>
      %swap3A_101 = arith.constant 0 : index
      %swap3A_102 = arith.constant 0 : index
      %swap3A_103 = vector.load %arg8[%swap3A_101, %swap3A_102] : memref<1x32xf32, #tpu.memory_space<vmem>>, vector<1x32xf32>
      tpu.vector_store %arg8[%swap3A_101, %swap3A_102], %logistic3A_100 {strides = array<i32>} : memref<1x32xf32, #tpu.memory_space<vmem>>, vector<1x32xf32>,
    } else {
    }
    return
  }
  func.func @transform_0(%arg0: i32) -> (i32, i32) {
    %c0_i32 = arith.constant 0 : i32
    %c0_i32_0 = arith.constant 0 : i32
    return %arg0, %c0_i32 : i32, i32
  }
  func.func @transform_1(%arg0: i32) -> (i32, i32) {
    %c0_i32 = arith.constant 0 : i32
    %c0_i32_0 = arith.constant 0 : i32
    %c0_i32_1 = arith.constant 0 : i32
    return %c0_i32, %c0_i32_0 : i32, i32
  }
  func.func @transform_2(%arg0: i32) -> (i32, i32) {
    %c0_i32 = arith.constant 0 : i32
    %c0_i32_0 = arith.constant 0 : i32
    return %arg0, %c0_i32 : i32, i32
  }
  func.func @transform_3(%arg0: i32) -> (i32, i32) {
    %c0_i32 = arith.constant 0 : i32
    %c0_i32_0 = arith.constant 0 : i32
    %c0_i32_1 = arith.constant 0 : i32
    return %c0_i32, %c0_i32_0 : i32, i32
  }
  func.func @transform_4(%arg0: i32) -> (i32, i32) {
    %c0_i32 = arith.constant 0 : i32
    %c0_i32_0 = arith.constant 0 : i32
    %c0_i32_1 = arith.constant 0 : i32
    return %c0_i32, %c0_i32_0 : i32, i32
  }
  func.func @transform_5(%arg0: i32) -> (i32, i32) {
    %c0_i32 = arith.constant 0 : i32
    %c0_i32_0 = arith.constant 0 : i32
    %c0_i32_1 = arith.constant 0 : i32
    return %c0_i32, %c0_i32_0 : i32, i32
  }
  func.func @transform_6(%arg0: i32) -> (i32, i32) {
    %c0_i32 = arith.constant 0 : i32
    %c0_i32_0 = arith.constant 0 : i32
    %c0_i32_1 = arith.constant 0 : i32
    return %c0_i32, %c0_i32_0 : i32, i32
  }
  func.func @transform_7(%arg0: i32) -> (i32, i32) {
    %c0_i32 = arith.constant 0 : i32
    %c0_i32_0 = arith.constant 0 : i32
    %c0_i32_1 = arith.constant 0 : i32
    return %c0_i32, %c0_i32_0 : i32, i32
  }
}

</mosaic_0001>

<sc_bundles>
// kernel: kernel.10.cloned.1.call-start
scs
__scs_entry_jumppad:
0x0: {  	(pc) =	sbr.rel $0x88, $3  }
0x1: {  	(tag) =	ssettag $0x0;
	lr =	simm.s32 $0x1  }
0x2: {  	[smem:$0x3F92] =	sst lr;
	_ =	strace $0xD0000000  }
0x3: {  	_ = 	snop  }
0x4: {  	_ = 	snop  }
0x5: {  	_ = 	snop  }
0x6: {  	_ = 	snop  }
0x7: {  	_ = 	snop  }
__scs_overlays_trampoline_lowered:
0x8: {  	[smem:$0x3FA1] =	sst s0  }
0x9: {  	[smem:$0x3FA2] =	sst s1  }
0xa: {  	[smem:$0x3FA3] =	sst s2  }
0xb: {  	[smem:$0x3FA4] =	sst s3  }
0xc: {  	[smem:$0x3FA5] =	sst s4  }
0xd: {  	[smem:$0x3FA6] =	sst s5  }
0xe: {  	[smem:$0x3FA7] =	sst s6  }
0xf: {  	[smem:$0x3FA8] =	sst s7  }
0x10: {  	[smem:$0x3FA9] =	sst s8  }
0x11: {  	[smem:$0x3FAA] =	sst s9;
	s0 =	simm.s32 @!p0 $0x0  }
0x12: {  	s1 =	sld [smem:$0x3F90];
	s0 =	simm.s32 @p0 $0x1  }
0x13: {  	[smem:$0x3FAB] =	sst s0;
	s0 =	simm.s32 @!p1 $0x0  }
0x14: {  	s2 =	sld [smem:$0x3F8F];
	s0 =	simm.s32 @p1 $0x1  }
0x15: {  	[smem:$0x3FAC] =	sst s0;
	s0 =	simm.s32 @!p2 $0x0  }
0x16: {  	s3 =	sld [smem:$0x3FDB];
	s0 =	simm.s32 @p2 $0x1  }
0x17: {  	s4 =	simm.s32 $0x1BF5;
	[smem:$0x3FAE] =	sst s0  }
0x18: {  	s0 =	sld [smem:$0x3F91];
	_ =	swait.ge [sflag:s4], $0x0  }
0x19: {  	s7 =	sld [smem:$0x3F92]  }
0x1a: {  	s8 =	sadd.s32 $0xFFFFE003, lr  }
0x1b: {  	s9 =	sadd.s32 $0xFFFFFEF7, lr;
	s5 =	simm.s32 $0xFFFFFFFF;
	p2 =	slt.u32 s8, $0xFFFFF086  }
0x1c: {  	p1 =	slt.u32 s9, $0xF7A;
	s5 =	simm.s32 @!p2 $0x0  }
0x1d: {  	s5 =	simm.s32 @p1 $0x1;
	p0 =	seq.s32 s7, s2  }
0x1e: {  	s7 =	smul.u32 @!p0 $0xF7A, s2;
	p2 =	seq.s32 @!p0 s5, $0x0  }
0x1f: {  	s9 =	smul.u32 $0xF7A, s1;
	s8 =	simm.s32 @!p0 $0x1BF5;
	p2 =	por !p2, p0  }
0x20: {  	[sflag:s8] =	ssyncset.s32 @!p0 $0xFFFFF086;
	s6 =	sadd.s32 @!p0 s3, s7;
	s7 =	simm.s32 @!p0 $0x108  }
0x21: {  	s3 =	sadd.s32 s3, s9;
	s6 =	sadd.s32 @!p0 $0x88, s6;
	s7 =	simm.s32 @p2 $0x1082  }
0x22: {  	[simem:s7], [sflag:s8] =	dma.local @!p0 [hbm:s6], $0xF7A  }
0x23: {  	s9 =	sor.u32 $0xD0000000, s2;
	s6 =	simm.s32 $0x108;
	_ =	swait.ge @!p0 [sflag:s8], $0x0  }
0x24: {  	s3 =	sadd.s32 $0x88, s3;
	s6 =	simm.s32 @!p1 $0x1082;
	[sflag:s4] =	ssyncset.s32 $0xFFFFF086  }
0x25: {  	[simem:s6], [sflag:s4] =	dma.local [hbm:s3], $0xF7A  }
0x26: {  	[smem:$0x3F92] =	sst s1;
	(tag) =	ssettag s2;
	_ =	strace s9  }
0x27: {  	s1 =	sld [smem:$0x3FA2]  }
0x28: {  	s2 =	sld [smem:$0x3FA3]  }
0x29: {  	s4 =	sld [smem:$0x3FA5]  }
0x2a: {  	p0 =	seq.s32 s5, $0x0;
	s5 =	sld [smem:$0x3FA6]  }
0x2b: {  	s6 =	sld [smem:$0x3FA7]  }
0x2c: {  	s7 =	sld [smem:$0x3FA8]  }
0x2d: {  	s3 =	simm.s32 $0x108;
	s8 =	sld [smem:$0x3FA9]  }
0x2e: {  	s3 =	simm.s32 @!p0 $0x1082;
	s9 =	sld [smem:$0x3FAA]  }
0x2f: {  	lr =	sadd.s32 s0, s3;
	s0 =	sld [smem:$0x3FA1]  }
0x30: {  	s3 =	sld [smem:$0x3FA4]  }
0x31: {  	[smem:$0x3FAD] =	sst s10  }
0x32: {  	s10 =	sld [smem:$0x3FAB];
	_ =	sdelay $0x3  }
0x33: {  	p0 =	seq.s32 s10, $0x1;
	s10 =	sld [smem:$0x3FAD];
	_ =	sdelay $0x3  }
0x34: {  	[smem:$0x3FAD] =	sst s10  }
0x35: {  	s10 =	sld [smem:$0x3FAC];
	_ =	sdelay $0x3  }
0x36: {  	p1 =	seq.s32 s10, $0x1;
	s10 =	sld [smem:$0x3FAD];
	_ =	sdelay $0x3  }
0x37: {  	[smem:$0x3FAD] =	sst s10  }
0x38: {  	s10 =	sld [smem:$0x3FAE]  }
0x39: {  	_ = 	snop;
	(pc) =	sbr.ind lr, $3  }
0x3a: {  	_ = 	snop  }
0x3b: {  	_ = 	snop  }
0x3c: {  	p2 =	seq.s32 s10, $0x1;
	s10 =	sld [smem:$0x3FAD]  }
0x3d: {  	_ =	shalt  }
0x3e: {  	_ =	shalt  }
0x3f: {  	_ =	shalt  }
0x40: {  	_ =	shalt  }
0x41: {  	_ =	shalt  }
0x42: {  	_ =	shalt  }
0x43: {  	_ =	shalt  }
0x44: {  	_ =	shalt  }
0x45: {  	_ =	shalt  }
0x46: {  	_ =	shalt  }
0x47: {  	_ =	shalt  }
0x48: {  	_ =	shalt  }
0x49: {  	_ =	shalt  }
0x4a: {  	_ =	shalt  }
0x4b: {  	_ =	shalt  }
0x4c: {  	_ =	shalt  }
0x4d: {  	_ =	shalt  }
0x4e: {  	_ =	shalt  }
0x4f: {  	_ =	shalt  }
0x50: {  	_ =	shalt  }
0x51: {  	_ =	shalt  }
0x52: {  	_ =	shalt  }
0x53: {  	_ =	shalt  }
0x54: {  	_ =	shalt  }
0x55: {  	_ =	shalt  }
0x56: {  	_ =	shalt  }
0x57: {  	_ =	shalt  }
0x58: {  	_ =	shalt  }
0x59: {  	_ =	shalt  }
0x5a: {  	_ =	shalt  }
0x5b: {  	_ =	shalt  }
0x5c: {  	_ =	shalt  }
0x5d: {  	_ =	shalt  }
0x5e: {  	_ =	shalt  }
0x5f: {  	_ =	shalt  }
0x60: {  	_ =	shalt  }
0x61: {  	_ =	shalt  }
0x62: {  	_ =	shalt  }
0x63: {  	_ =	shalt  }
0x64: {  	_ =	shalt  }
0x65: {  	_ =	shalt  }
0x66: {  	_ =	shalt  }
0x67: {  	_ =	shalt  }
0x68: {  	_ =	shalt  }
0x69: {  	_ =	shalt  }
0x6a: {  	_ =	shalt  }
0x6b: {  	_ =	shalt  }
0x6c: {  	_ =	shalt  }
0x6d: {  	_ =	shalt  }
0x6e: {  	_ =	shalt  }
0x6f: {  	_ =	shalt  }
0x70: {  	_ =	shalt  }
0x71: {  	_ =	shalt  }
0x72: {  	_ =	shalt  }
0x73: {  	_ =	shalt  }
0x74: {  	_ =	shalt  }
0x75: {  	_ =	shalt  }
0x76: {  	_ =	shalt  }
0x77: {  	_ =	shalt  }
0x78: {  	_ =	shalt  }
0x79: {  	_ =	shalt  }
0x7a: {  	_ =	shalt  }
0x7b: {  	_ =	shalt  }
0x7c: {  	_ =	shalt  }
0x7d: {  	_ =	shalt  }
0x7e: {  	_ =	shalt  }
0x7f: {  	_ =	shalt  }
0x80: {  	_ =	shalt  }
0x81: {  	_ =	shalt  }
0x82: {  	_ =	shalt  }
0x83: {  	_ =	shalt  }
0x84: {  	_ =	shalt  }
0x85: {  	_ =	shalt  }
0x86: {  	_ =	shalt  }
0x87: {  	_ =	shalt  }
.Lfunc_end0:
.L_simem_size_0:
called_computation.2_lowered:
.L_overlay_start_0:
0x88: {  	s2 =	sld [smem:$0x3FD9]  }
0x89: {  	s3 =	sld [smem:$0x3FFE];
	_ =	sdelay $0x1  }
0x8a: {  	s1 =	srdreg.scid  }
0x8b: {  	s0 =	sand.u32 $0x1, s1  }
0x8c: {  	s17 =	sshll.u32 s0, $0xA;
	s2 =	sadd.s32 s3, s2  }
0x8d: {  	s2 =	sadd.s32 s2, s17  }
0x8e: {  	[smem:$0x3FB9] =	sst s2  }
0x8f: {  	_ = 	snop  }
0x90: {  	(tm) =	ssettm $0x1  }
0x91: {  	s18 =	sld [smem:$0x3FFB];
	_ =	sdelay $0x3  }
0x92: {  	_ =	strace s18  }
0x93: {  	s2 =	sld [smem:$0x3FFC];
	_ =	sdelay $0x3  }
0x94: {  	_ =	strace s2  }
0x95: {  	s2 =	sld [smem:$0x3FFD];
	_ =	sdelay $0x3  }
0x96: {  	_ =	strace s2  }
0x97: {  	_ =	strace $0x8FFFFFFF  }
0x98: {  	s19 =	sld [smem:$0x3FDB];
	_ =	sdelay $0x1  }
0x99: {  	s20 =	simm.s32 $_scs_section_size  }
0x9a: {  	s4 =	simm.s32 $_size__tile_overlayer_lowered;
	s5 =	simm.s32 $_tile_overlayer_lowered  }
0x9b: {  	s6 =	simm.s32 $0x1BFF;
	s21 =	sshll.u32 s5, $0x1;
	s3 =	sadd.s32 s20, s19  }
0x9c: {  	s22 =	simm.s32 $0x0;
	s4 =	sshll.u32 s4, $0x1;
	s5 =	sadd.s32 s21, s3  }
0x9d: {  	[timem:s22], [sflag:s6] =	dma.local [hbm:s5], s4  }
0x9e: {  	_ =	swait.ge [sflag:s6], s4  }
0x9f: {  	s4 =	ssub.s32 $0x0, s4;
	[sflag:s6] =	ssyncset.done $0x0  }
0xa0: {  	[sflag:s6] =	ssyncadd.s32 s4;
	_ =	sdelay $0x1  }
0xa1: {  	s23 =	simm.s32 $0x1B8B  }
0xa2: {  	_ =	swait.ge [sflag:s23], $0x1  }
0xa3: {  	[sflag:s23] =	ssyncset.done $0x0  }
0xa4: {  	[sflag:s23] =	ssyncadd.s32 $0xFFFFFFFF  }
0xa5: {  	s4 =	sld [smem:$0x0]  }
0xa6: {  	s5 =	sand.u32 $0xFFFFFFFE, s1  }
0xa7: {  	p0 =	sne.s32 s1, s5  }
0xa8: {  	s5 =	sshll.u32 @p0 s5, $0xE  }
0xa9: {  	s5 =	sadd.s32 @p0 $0x11B8D, s5;
	s6 =	sshll.u32 @p0 s4, $0x11  }
0xaa: {  	s5 =	sor.u32 @p0 s6, s5  }
0xab: {  	[sflag:s5] =	ssyncadd.remote.s32 @p0 $0x1;
	_ =	sdelay $0x1  }
0xac: {  	s5 =	simm.s32 @p0 $0x1B8D  }
0xad: {  	_ =	swait.eq @p0 [sflag:s5], $0x1  }
0xae: {  	[sflag:s5] =	ssyncadd.s32 @p0 $0xFFFFFFFF  }
0xaf: {  	s6 =	sshll.u32 @!p0 s1, $0xE  }
0xb0: {  	s6 =	sor.u32 @!p0 $0x4000, s6;
	s5 =	simm.s32 @!p0 $0x1B8D  }
0xb1: {  	s4 =	sshll.u32 @!p0 s4, $0x11;
	s6 =	sadd.s32 @!p0 $0x11B8D, s6;
	_ =	swait.eq @!p0 [sflag:s5], $0x1  }
0xb2: {  	s4 =	sor.u32 @!p0 s4, s6;
	[sflag:s5] =	ssyncadd.s32 @!p0 $0xFFFFFFFF  }
0xb3: {  	s25 =	simm.s32 $0x1B8E;
	s24 =	sld [smem:$0x3FFE];
	[sflag:s4] =	ssyncadd.remote.s32 @!p0 $0x1  }
0xb4: {  	s26 =	simm.s32 $execute0_lowered;
	[smem:$0x3FD2] =	sst s25  }
0xb5: {  	s5 =	sshll.u32 s26, $0x1;
	_ =	strace $0x8000004C;
	[dreg:$0x1] =	wrdreg $0xFFFFFFFF  }
0xb6: {  	s28 =	simm.s32 $_size_execute0_lowered;
	s3 =	sadd.s32 s3, s5;
	[dreg:$0x0] =	wrdreg $0x0  }
0xb7: {  	s5 =	sshll.u32 s28, $0x1;
	[dreg:$0x2] =	wrdreg s3  }
0xb8: {  	[dreg:$0x3] =	wrdreg s5  }
0xb9: {  	[dreg:$0x4] =	wrdreg $0xC0  }
0xba: {  	_ =	task [dreg:s22], $0x5FFFF  }
0xbb: {  	[dreg:$0x1] =	wrdreg $0xFFFFFFFF  }
0xbc: {  	[dreg:$0x0] =	wrdreg $0x60  }
0xbd: {  	[dreg:$0x2] =	wrdreg s24  }
0xbe: {  	[dreg:$0x3] =	wrdreg $0x8F800  }
0xbf: {  	[dreg:$0x4] =	wrdreg $0xA  }
0xc0: {  	_ =	task.clear_ibuf [dreg:s22], $0x5FFFF;
	_ =	strace $0x9000004C  }
0xc1: {  	s29 =	simm.s32 $0xA;
	_ =	strace $0x8000004E  }
0xc2: {  	_ =	swait.ge [sflag:s29], $0x1  }
0xc3: {  	[sflag:s29] =	ssyncadd.s32 $0xFFFFFFFF  }
0xc4: {  	_ =	strace $0x9000004E  }
0xc5: {  	_ =	sfence  }
0xc6: {  	s30 =	sld [smem:$0x0];
	_ =	sdelay $0x2  }
0xc7: {  	s31 =	sshll.u32 s1, $0xD;
	s1 =	sshrl.u32 s1, $0x2  }
0xc8: {  	s4 =	sand.u32 $0x4000, s31;
	s1 =	sadd.s32 s1, s30  }
0xc9: {  	s0 =	sor.u32 s4, s0;
	s1 =	sshll.u32 s1, $0x11  }
0xca: {  	s0 =	sor.u32 s1, s0  }
0xcb: {  	s0 =	sadd.s32 $0x8F2B, s0  }
0xcc: {  	[sflag:s0] =	ssyncadd.remote.s32 $0x1  }
0xcd: {  	_ =	sfence.sel $0xFFFF  }
0xce: {  	[dreg:$0x0] =	wrdreg $0xFFFFFFFF;
	(pc) =	sbr.abs _section_cstart, $3  }
0xcf: {  	[dreg:$0x1] =	wrdreg $0xFFFFFFFF  }
0xd0: {  	_ =	task.clear_ibuf [dreg:s22], $0x2FFFF;
	_ =	strace $0x9FFFFFFF  }
0xd1: {  	(tm) =	ssettm $0x7FFFFFFF  }
tec
execute0_lowered:
.L_overlay_start_1:
0x0: {  	(tag) =	ssettag $0x1  }
0x1: {  	s6 =	rddreg [dreg:$0x0]  }
0x2: {  	s2 =	rddreg [dreg:$0x1]  }
0x3: {  	s3 =	srdreg.scid;
	s1 =	stileid.u32  }
0x4: {  	s0 =	rddreg [dreg:$0x2];
	s14 =	simm.s32 $0x100;
	s4 =	smul.u32 $0x4F00, s1  }
0x5: {  	s15 =	simm.s32 $0x2780;
	s16 =	simm.s32 $0x4F80;
	s28 =	smul.u32 $0x13C00, s1  }
0x6: {  	s17 =	simm.s32 $0x1;
	s18 =	simm.s32 $0x0;
	s10 =	smul.u32 $0x500, s1  }
0x7: {  	s7 =	sand.u32 $0x1, s3;
	s3 =	simm.s32 $0x0;
	s11 =	smul.u32 $0x4F000, s1  }
0x8: {  	s12 =	sshll.u32 s1, $0x6;
	s5 =	sshll.u32 s7, $0x7;
	s8 =	smul.u32 $0x13C000, s7  }
0x9: {  	[smem:$0x7FF] =	sst s3;
	s31 =	ssub.s32 $0x2, s7;
	s4 =	sor.u32 s5, s4  }
0xa: {  	_ =	strace $0x8000004D;
	s29 =	sadd.s32 s10, s6;
	s7 =	sshrl.u32 s31, $0x1  }
0xb: {  	s11 =	sshrl.u32 s11, $0x2;
	s9 =	sshrl.u32 s4, $0x3;
	s4 =	sadd.s32 $0x6E400, s6  }
0xc: {  	s5 =	sadd.s32 s28, s8;
	s13 =	ssub.s32 s31, s7;
	s11 =	sadd.s32 s11, s2  }
0xd: {  	s8 =	sadd.s32 $0xBE400, s29;
	s9 =	sadd.s32 s9, s6;
	s30 =	sshrl.u32 s5, $0x3  }
0xe: {  	s5 =	sadd.s32 $0x800, s6;
	s11 =	sshrl.u32 s11, $0x3;
	s10 =	sadd.s32 s30, s6  }
0xf: {  	s6 =	sor.u32 $0x1C02, s12;
	s7 =	sadd.s32 $0xCD400, s9;
	s12 =	simm.s32 $0x2  }
0x10: {  	s9 =	sadd.s32 $0x3000, s10;
	s10 =	smax.u32 s13, $0x1;
	s13 =	simm.s32 $0x80  }
.LBB2_1:
0x11: {  	[spmem:s11], [sflag:s6] =	dma.local [hbm:s5], $0x2780  }
0x12: {  	_ =	swait.ge [sflag:s12], $0x2780  }
0x13: {  	[sflag:s12] =	ssyncset.done $0x0  }
0x14: {  	[sflag:s12] =	ssyncadd.s32 $0xFFFFD880  }
0x15: {  	[tilespmem:s3], [sflag:$0x2] =	stream.strided.gather [hbm4b:s7+s13], $0x2780, s14, s13, $0x38;
	[tilespmem:$0x1CB80] =	vst v63  }
0x16: {  	_ =	swait.ge [sflag:s12], $0x2780  }
0x17: {  	[sflag:s12] =	ssyncset.done $0x0  }
0x18: {  	[sflag:s12] =	ssyncadd.s32 $0xFFFFD880  }
0x19: {  	[tilespmem:s15], [sflag:$0x2] =	stream.linear.gather [hbm4b:s8+s3], $0x2780, $0x38;
	[tilespmem:$0x1CB80] =	vst v63  }
0x1a: {  	_ =	swait.ge [sflag:s12], $0x2780  }
0x1b: {  	[sflag:s12] =	ssyncset.done $0x0  }
0x1c: {  	[sflag:s12] =	ssyncadd.s32 $0xFFFFD880  }
0x1d: {  	s19 =	simm.s32 $0x0;
	[bflag:$0x0] =	sbarrier.arrive $0xFFFF  }
0x1e: {  	[tilespmem:s16], [sflag:$0x1] =	stream.indirect.gather [hbm4b:s4+s13], $0x80, s19, s13, $0xb8;
	[tilespmem:$0x1CB80] =	vst v63  }
0x1f: {  	_ =	swait.ge [sflag:s17], $0x4000  }
0x20: {  	[sflag:s17] =	ssyncset.done $0x0  }
0x21: {  	s31 =	simm.s32 $0x2780;
	[sflag:s17] =	ssyncadd.s32 $0xFFFFC000  }
0x22: {  	[spmem:s2] =	stream.indirect.scatter.add.f32 [tilespmem:s16], [sflag:$0x2], $0x80, s31, s13, $0xb8;
	[tilespmem:$0x1CB80] =	vst v63  }
0x23: {  	_ =	swait.ge [sflag:s12], $0x4000  }
0x24: {  	s20 =	simm.s32 $0x400;
	s19 =	simm.s32 $0x200;
	[sflag:s12] =	ssyncset.done $0x0  }
.LBB2_2:
0x25: {  	s21 =	sshra.s32 s19, $0x2  }
0x26: {  	[sflag:s12] =	ssyncadd.s32 $0xFFFFC000;
	s19 =	smov.u32 s20;
	s22 =	sadd.s32 $0x200, s20  }
0x27: {  	[tilespmem:s16], [sflag:$0x1] =	stream.indirect.gather [hbm4b:s4+s13], $0x80, s21, s13, $0xb8;
	[tilespmem:$0x1CB80] =	vst v63  }
0x28: {  	p0 =	sne.s32 s20, $0x9C00;
	_ =	swait.ge [sflag:s17], $0x4000  }
.Ltmp0:
0x29: {  	[sflag:s17] =	ssyncset.done $0x0;
	(pc) =	sbr.rel @p0 .LBB2_2-.Ltmp0, $4  }
0x2a: {  	s20 =	sadd.s32 $0x2780, s21;
	[sflag:s17] =	ssyncadd.s32 $0xFFFFC000  }
0x2b: {  	[spmem:s2] =	stream.indirect.scatter.add.f32 [tilespmem:s16], [sflag:$0x2], $0x80, s20, s13, $0xb8;
	[tilespmem:$0x1CB80] =	vst v63  }
0x2c: {  	_ =	swait.ge [sflag:s12], $0x4000  }
0x2d: {  	s20 =	smov.u32 s22;
	[sflag:s12] =	ssyncset.done $0x0  }
0x2e: {  	s19 =	sshra.s32 s19, $0x2;
	[sflag:s12] =	ssyncadd.s32 $0xFFFFC000  }
0x2f: {  	[tilespmem:s16], [sflag:$0x1] =	stream.indirect.gather [hbm4b:s4+s13], $0x80, s19, s13, $0xb8;
	[tilespmem:$0x1CB80] =	vst v63  }
0x30: {  	_ =	swait.ge [sflag:s17], $0x4000  }
0x31: {  	[sflag:s17] =	ssyncset.done $0x0  }
0x32: {  	s19 =	sadd.s32 $0x2780, s19;
	[sflag:s17] =	ssyncadd.s32 $0xFFFFC000  }
0x33: {  	[spmem:s2] =	stream.indirect.scatter.add.f32 [tilespmem:s16], [sflag:$0x2], $0x80, s19, s13, $0xb8;
	[tilespmem:$0x1CB80] =	vst v63  }
0x34: {  	_ =	swait.ge [sflag:s12], $0x4000  }
0x35: {  	s18 =	sadd.s32 $0x1, s18;
	[sflag:s12] =	ssyncset.done $0x0  }
0x36: {  	p0 =	sne.s32 s18, s10;
	[sflag:s12] =	ssyncadd.s32 $0xFFFFC000  }
.Ltmp1:
0x37: {  	[bflag:$0x0] =	sbarrier.arrive $0xFFFF;
	(pc) =	sbr.rel @p0 .LBB2_1-.Ltmp1, $4  }
0x38: {  	[hbm:s9], [sflag:s6] =	dma.local [spmem:s11], $0x2780  }
0x39: {  	_ =	swait.ge [sflag:s12], $0x2780  }
0x3a: {  	[sflag:s12] =	ssyncset.done $0x0  }
0x3b: {  	[sflag:s12] =	ssyncadd.s32 $0xFFFFD880  }
0x3c: {  	_ =	sfence.sel $0x180000  }
0x3d: {  	[bflag:$0x0] =	sbarrier.arrive $0xFFFF  }
0x3e: {  	p0 =	sne.s32 s1, $0x0;
	_ =	strace $0x9000004D  }
0x3f: {  	s0 =	sadd.s32 @!p0 $0x100000, s0;
	[bflag:$0x2] =	sbarrier.arrive $0xFFFF  }
0x40: {  	[sflag:s0] =	ssyncadd.tile.s32 @!p0 $0x1;
	_ =	shalt  }
.Lfunc_end2:
_tile_overlayer_lowered:
.L_overlay_start_2:
0x41: {  	(tag) =	ssettag $0x2  }
0x42: {  	s0 =	rddreg [dreg:$0x0];
	s2 =	stileid.u32  }
0x43: {  	s1 =	rddreg [dreg:$0x1];
	p0 =	sne.s32 s2, $0x0  }
0x44: {  	s3 =	rddreg [dreg:$0x2];
	[bflag:$0x3] =	sbarrier.arrive $0xFFFF;
	s2 =	simm.s32 @!p0 $0x1C02  }
0x45: {  	[timem:s3], [sflag:s2] =	dma.local @!p0 [hbm:s0], s1  }
0x46: {  	s0 =	simm.s32 @!p0 $0x2  }
0x47: {  	_ =	swait.ge @!p0 [sflag:s0], s1  }
0x48: {  	s1 =	ssub.s32 @!p0 $0x0, s1;
	[sflag:s0] =	ssyncset.done @!p0 $0x0  }
0x49: {  	[sflag:s0] =	ssyncadd.s32 @!p0 s1  }
0x4a: {  	[bflag:$0x3] =	sbarrier.arrive $0xFFFF  }
0x4b: {  	_ =	shalt  }

// kernel: kernel.7.cloned.1.call-start
scs
__scs_entry_jumppad:
0x0: {  	(pc) =	sbr.rel $0x88, $3  }
0x1: {  	(tag) =	ssettag $0x0;
	lr =	simm.s32 $0x1  }
0x2: {  	[smem:$0x3F92] =	sst lr;
	_ =	strace $0xD0000000  }
0x3: {  	_ = 	snop  }
0x4: {  	_ = 	snop  }
0x5: {  	_ = 	snop  }
0x6: {  	_ = 	snop  }
0x7: {  	_ = 	snop  }
__scs_overlays_trampoline_lowered:
0x8: {  	[smem:$0x3FA1] =	sst s0  }
0x9: {  	[smem:$0x3FA2] =	sst s1  }
0xa: {  	[smem:$0x3FA3] =	sst s2  }
0xb: {  	[smem:$0x3FA4] =	sst s3  }
0xc: {  	[smem:$0x3FA5] =	sst s4  }
0xd: {  	[smem:$0x3FA6] =	sst s5  }
0xe: {  	[smem:$0x3FA7] =	sst s6  }
0xf: {  	[smem:$0x3FA8] =	sst s7  }
0x10: {  	[smem:$0x3FA9] =	sst s8  }
0x11: {  	[smem:$0x3FAA] =	sst s9;
	s0 =	simm.s32 @!p0 $0x0  }
0x12: {  	s1 =	sld [smem:$0x3F90];
	s0 =	simm.s32 @p0 $0x1  }
0x13: {  	[smem:$0x3FAB] =	sst s0;
	s0 =	simm.s32 @!p1 $0x0  }
0x14: {  	s2 =	sld [smem:$0x3F8F];
	s0 =	simm.s32 @p1 $0x1  }
0x15: {  	[smem:$0x3FAC] =	sst s0;
	s0 =	simm.s32 @!p2 $0x0  }
0x16: {  	s3 =	sld [smem:$0x3FDB];
	s0 =	simm.s32 @p2 $0x1  }
0x17: {  	s4 =	simm.s32 $0x1BF5;
	[smem:$0x3FAE] =	sst s0  }
0x18: {  	s0 =	sld [smem:$0x3F91];
	_ =	swait.ge [sflag:s4], $0x0  }
0x19: {  	s7 =	sld [smem:$0x3F92]  }
0x1a: {  	s8 =	sadd.s32 $0xFFFFE003, lr  }
0x1b: {  	s9 =	sadd.s32 $0xFFFFFEF7, lr;
	s5 =	simm.s32 $0xFFFFFFFF;
	p2 =	slt.u32 s8, $0xFFFFF086  }
0x1c: {  	p1 =	slt.u32 s9, $0xF7A;
	s5 =	simm.s32 @!p2 $0x0  }
0x1d: {  	s5 =	simm.s32 @p1 $0x1;
	p0 =	seq.s32 s7, s2  }
0x1e: {  	s7 =	smul.u32 @!p0 $0xF7A, s2;
	p2 =	seq.s32 @!p0 s5, $0x0  }
0x1f: {  	s9 =	smul.u32 $0xF7A, s1;
	s8 =	simm.s32 @!p0 $0x1BF5;
	p2 =	por !p2, p0  }
0x20: {  	[sflag:s8] =	ssyncset.s32 @!p0 $0xFFFFF086;
	s6 =	sadd.s32 @!p0 s3, s7;
	s7 =	simm.s32 @!p0 $0x108  }
0x21: {  	s3 =	sadd.s32 s3, s9;
	s6 =	sadd.s32 @!p0 $0x88, s6;
	s7 =	simm.s32 @p2 $0x1082  }
0x22: {  	[simem:s7], [sflag:s8] =	dma.local @!p0 [hbm:s6], $0xF7A  }
0x23: {  	s9 =	sor.u32 $0xD0000000, s2;
	s6 =	simm.s32 $0x108;
	_ =	swait.ge @!p0 [sflag:s8], $0x0  }
0x24: {  	s3 =	sadd.s32 $0x88, s3;
	s6 =	simm.s32 @!p1 $0x1082;
	[sflag:s4] =	ssyncset.s32 $0xFFFFF086  }
0x25: {  	[simem:s6], [sflag:s4] =	dma.local [hbm:s3], $0xF7A  }
0x26: {  	[smem:$0x3F92] =	sst s1;
	(tag) =	ssettag s2;
	_ =	strace s9  }
0x27: {  	s1 =	sld [smem:$0x3FA2]  }
0x28: {  	s2 =	sld [smem:$0x3FA3]  }
0x29: {  	s4 =	sld [smem:$0x3FA5]  }
0x2a: {  	p0 =	seq.s32 s5, $0x0;
	s5 =	sld [smem:$0x3FA6]  }
0x2b: {  	s6 =	sld [smem:$0x3FA7]  }
0x2c: {  	s7 =	sld [smem:$0x3FA8]  }
0x2d: {  	s3 =	simm.s32 $0x108;
	s8 =	sld [smem:$0x3FA9]  }
0x2e: {  	s3 =	simm.s32 @!p0 $0x1082;
	s9 =	sld [smem:$0x3FAA]  }
0x2f: {  	lr =	sadd.s32 s0, s3;
	s0 =	sld [smem:$0x3FA1]  }
0x30: {  	s3 =	sld [smem:$0x3FA4]  }
0x31: {  	[smem:$0x3FAD] =	sst s10  }
0x32: {  	s10 =	sld [smem:$0x3FAB];
	_ =	sdelay $0x3  }
0x33: {  	p0 =	seq.s32 s10, $0x1;
	s10 =	sld [smem:$0x3FAD];
	_ =	sdelay $0x3  }
0x34: {  	[smem:$0x3FAD] =	sst s10  }
0x35: {  	s10 =	sld [smem:$0x3FAC];
	_ =	sdelay $0x3  }
0x36: {  	p1 =	seq.s32 s10, $0x1;
	s10 =	sld [smem:$0x3FAD];
	_ =	sdelay $0x3  }
0x37: {  	[smem:$0x3FAD] =	sst s10  }
0x38: {  	s10 =	sld [smem:$0x3FAE]  }
0x39: {  	_ = 	snop;
	(pc) =	sbr.ind lr, $3  }
0x3a: {  	_ = 	snop  }
0x3b: {  	_ = 	snop  }
0x3c: {  	p2 =	seq.s32 s10, $0x1;
	s10 =	sld [smem:$0x3FAD]  }
0x3d: {  	_ =	shalt  }
0x3e: {  	_ =	shalt  }
0x3f: {  	_ =	shalt  }
0x40: {  	_ =	shalt  }
0x41: {  	_ =	shalt  }
0x42: {  	_ =	shalt  }
0x43: {  	_ =	shalt  }
0x44: {  	_ =	shalt  }
0x45: {  	_ =	shalt  }
0x46: {  	_ =	shalt  }
0x47: {  	_ =	shalt  }
0x48: {  	_ =	shalt  }
0x49: {  	_ =	shalt  }
0x4a: {  	_ =	shalt  }
0x4b: {  	_ =	shalt  }
0x4c: {  	_ =	shalt  }
0x4d: {  	_ =	shalt  }
0x4e: {  	_ =	shalt  }
0x4f: {  	_ =	shalt  }
0x50: {  	_ =	shalt  }
0x51: {  	_ =	shalt  }
0x52: {  	_ =	shalt  }
0x53: {  	_ =	shalt  }
0x54: {  	_ =	shalt  }
0x55: {  	_ =	shalt  }
0x56: {  	_ =	shalt  }
0x57: {  	_ =	shalt  }
0x58: {  	_ =	shalt  }
0x59: {  	_ =	shalt  }
0x5a: {  	_ =	shalt  }
0x5b: {  	_ =	shalt  }
0x5c: {  	_ =	shalt  }
0x5d: {  	_ =	shalt  }
0x5e: {  	_ =	shalt  }
0x5f: {  	_ =	shalt  }
0x60: {  	_ =	shalt  }
0x61: {  	_ =	shalt  }
0x62: {  	_ =	shalt  }
0x63: {  	_ =	shalt  }
0x64: {  	_ =	shalt  }
0x65: {  	_ =	shalt  }
0x66: {  	_ =	shalt  }
0x67: {  	_ =	shalt  }
0x68: {  	_ =	shalt  }
0x69: {  	_ =	shalt  }
0x6a: {  	_ =	shalt  }
0x6b: {  	_ =	shalt  }
0x6c: {  	_ =	shalt  }
0x6d: {  	_ =	shalt  }
0x6e: {  	_ =	shalt  }
0x6f: {  	_ =	shalt  }
0x70: {  	_ =	shalt  }
0x71: {  	_ =	shalt  }
0x72: {  	_ =	shalt  }
0x73: {  	_ =	shalt  }
0x74: {  	_ =	shalt  }
0x75: {  	_ =	shalt  }
0x76: {  	_ =	shalt  }
0x77: {  	_ =	shalt  }
0x78: {  	_ =	shalt  }
0x79: {  	_ =	shalt  }
0x7a: {  	_ =	shalt  }
0x7b: {  	_ =	shalt  }
0x7c: {  	_ =	shalt  }
0x7d: {  	_ =	shalt  }
0x7e: {  	_ =	shalt  }
0x7f: {  	_ =	shalt  }
0x80: {  	_ =	shalt  }
0x81: {  	_ =	shalt  }
0x82: {  	_ =	shalt  }
0x83: {  	_ =	shalt  }
0x84: {  	_ =	shalt  }
0x85: {  	_ =	shalt  }
0x86: {  	_ =	shalt  }
0x87: {  	_ =	shalt  }
.Lfunc_end0:
.L_simem_size_0:
called_computation.1_lowered:
.L_overlay_start_0:
0x88: {  	s2 =	sld [smem:$0x3FD9]  }
0x89: {  	s3 =	sld [smem:$0x3FFE];
	_ =	sdelay $0x1  }
0x8a: {  	s1 =	srdreg.scid  }
0x8b: {  	s0 =	sand.u32 $0x1, s1  }
0x8c: {  	s17 =	sshll.u32 s0, $0xA;
	s2 =	sadd.s32 s3, s2  }
0x8d: {  	s2 =	sadd.s32 s2, s17  }
0x8e: {  	[smem:$0x3FB9] =	sst s2  }
0x8f: {  	_ = 	snop  }
0x90: {  	s2 =	sld [smem:$0x3FC9];
	(tm) =	ssettm $0x1  }
0x91: {  	s18 =	sld [smem:$0x3FFB];
	_ =	sdelay $0x3  }
0x92: {  	_ =	strace s18  }
0x93: {  	s3 =	sld [smem:$0x3FFC];
	_ =	sdelay $0x3  }
0x94: {  	_ =	strace s3  }
0x95: {  	s3 =	sld [smem:$0x3FFD];
	_ =	sdelay $0x3  }
0x96: {  	_ =	strace s3  }
0x97: {  	_ =	strace $0x8FFFFFFF  }
0x98: {  	s19 =	sld [smem:$0x3FDB];
	_ =	sdelay $0x1  }
0x99: {  	s4 =	simm.s32 $_scs_section_size  }
0x9a: {  	s5 =	simm.s32 $_size__tile_overlayer_lowered;
	s6 =	simm.s32 $_tile_overlayer_lowered  }
0x9b: {  	s22 =	simm.s32 $0x1BFF;
	s21 =	sshll.u32 s6, $0x1;
	s3 =	sadd.s32 s4, s19  }
0x9c: {  	s7 =	simm.s32 $0x0;
	s20 =	sshll.u32 s5, $0x1;
	s5 =	sadd.s32 s21, s3  }
0x9d: {  	[timem:s7], [sflag:s22] =	dma.local [hbm:s5], s20  }
0x9e: {  	_ =	swait.ge [sflag:s22], s20  }
0x9f: {  	s4 =	ssub.s32 $0x0, s20;
	[sflag:s22] =	ssyncset.done $0x0  }
0xa0: {  	[sflag:s22] =	ssyncadd.s32 s4;
	_ =	sdelay $0x1  }
0xa1: {  	s23 =	simm.s32 $0x1B8B  }
0xa2: {  	_ =	swait.ge [sflag:s23], $0x1  }
0xa3: {  	[sflag:s23] =	ssyncset.done $0x0  }
0xa4: {  	s25 =	simm.s32 $0x1B8E;
	s24 =	sld [smem:$0x3FFE];
	[sflag:s23] =	ssyncadd.s32 $0xFFFFFFFF  }
0xa5: {  	s26 =	simm.s32 $execute0_lowered;
	[smem:$0x3FD2] =	sst s25  }
0xa6: {  	s5 =	sshll.u32 s26, $0x1;
	_ =	strace $0x80000046;
	[dreg:$0x1] =	wrdreg $0xFFFFFFFF  }
0xa7: {  	s28 =	simm.s32 $_size_execute0_lowered;
	s3 =	sadd.s32 s3, s5;
	[dreg:$0x0] =	wrdreg $0x0  }
0xa8: {  	s5 =	sshll.u32 s28, $0x1;
	[dreg:$0x2] =	wrdreg s3  }
0xa9: {  	[dreg:$0x3] =	wrdreg s5  }
0xaa: {  	[dreg:$0x4] =	wrdreg $0xC0  }
0xab: {  	_ =	task [dreg:s7], $0x5FFFF  }
0xac: {  	[dreg:$0x1] =	wrdreg $0xFFFFFFFF  }
0xad: {  	[dreg:$0x0] =	wrdreg $0x60  }
0xae: {  	[dreg:$0x2] =	wrdreg s24  }
0xaf: {  	[dreg:$0x3] =	wrdreg s2  }
0xb0: {  	[dreg:$0x4] =	wrdreg $0xA  }
0xb1: {  	_ =	task.clear_ibuf [dreg:s7], $0x5FFFF;
	_ =	strace $0x90000046  }
0xb2: {  	s29 =	simm.s32 $0xA;
	_ =	strace $0x80000048  }
0xb3: {  	_ =	swait.ge [sflag:s29], $0x1  }
0xb4: {  	[sflag:s29] =	ssyncadd.s32 $0xFFFFFFFF  }
0xb5: {  	_ =	strace $0x90000048  }
0xb6: {  	_ =	sfence  }
0xb7: {  	s30 =	sld [smem:$0x0];
	_ =	sdelay $0x2  }
0xb8: {  	s31 =	sshll.u32 s1, $0xD;
	s1 =	sshrl.u32 s1, $0x2  }
0xb9: {  	s3 =	sand.u32 $0x4000, s31;
	s1 =	sadd.s32 s1, s30  }
0xba: {  	s0 =	sor.u32 s3, s0;
	s1 =	sshll.u32 s1, $0x11  }
0xbb: {  	s0 =	sor.u32 s1, s0  }
0xbc: {  	s0 =	sadd.s32 $0x8F2B, s0  }
0xbd: {  	[sflag:s0] =	ssyncadd.remote.s32 $0x1  }
0xbe: {  	_ =	sfence.sel $0xFFFF  }
0xbf: {  	[dreg:$0x0] =	wrdreg $0xFFFFFFFF;
	(pc) =	sbr.abs _section_cstart, $3  }
0xc0: {  	[dreg:$0x1] =	wrdreg $0xFFFFFFFF  }
0xc1: {  	_ =	task.clear_ibuf [dreg:s7], $0x2FFFF;
	_ =	strace $0x9FFFFFFF  }
0xc2: {  	(tm) =	ssettm $0x7FFFFFFF  }
0xc3: {  	_ =	shalt  }
tec
execute0_lowered:
.L_overlay_start_1:
0x0: {  	(tag) =	ssettag $0x1  }
0x1: {  	s5 =	rddreg [dreg:$0x0]  }
0x2: {  	s2 =	rddreg [dreg:$0x1]  }
0x3: {  	s0 =	rddreg [dreg:$0x2]  }
0x4: {  	s4 =	srdreg.scid;
	s1 =	stileid.u32;
	s3 =	simm.s32 $0x0  }
0x5: {  	s13 =	simm.s32 $0x2;
	s14 =	simm.s32 $0x300;
	s15 =	simm.s32 $0x80  }
0x6: {  	s16 =	simm.s32 $0x1A80;
	s17 =	simm.s32 $0x1;
	s18 =	simm.s32 $0x180  }
0x7: {  	s19 =	simm.s32 $0x5A80;
	s20 =	simm.s32 $0x200;
	s21 =	simm.s32 $0x40  }
0x8: {  	s22 =	simm.s32 $0x100;
	s6 =	sand.u32 $0x1, s4;
	s31 =	sshll.u32 s1, $0x1  }
0x9: {  	s23 =	simm.s32 $0x280;
	s24 =	simm.s32 $0x0;
	s7 =	sor.u32 s6, s31  }
0xa: {  	[smem:$0x7FF] =	sst s3;
	s4 =	sadd.s32 $0xE00, s5;
	s8 =	smul.u32 $0x28, s7  }
0xb: {  	s11 =	sadd.s32 $0x6E400, s5;
	s6 =	ssub.s32 $0x2, s6;
	s9 =	smul.u32 $0xA000, s7  }
0xc: {  	_ =	strace $0x80000047;
	s10 =	sshrl.u32 s6, $0x1;
	s7 =	smul.u32 $0x1400, s7  }
0xd: {  	s12 =	ssub.s32 s6, s10;
	s8 =	sadd.s32 s8, s5;
	s9 =	sshrl.u32 s9, $0x3  }
0xe: {  	s6 =	sadd.s32 s11, s7;
	s12 =	smax.u32 s12, $0x1;
	s11 =	sadd.s32 s11, s9  }
0xf: {  	s5 =	sadd.s32 $0x800, s8;
	s7 =	sadd.s32 $0x28000, s11;
	s8 =	sadd.s32 $0x800, s11  }
0x10: {  	s9 =	sadd.s32 $0x28800, s11;
	s10 =	sadd.s32 $0x1000, s11;
	s11 =	sadd.s32 $0x29000, s11  }
.LBB2_1:
0x11: {  	[tilespmem:s3], [sflag:$0x2] =	stream.linear.gather [hbm4b:s5+s3], $0x140, $0x38;
	[tilespmem:$0x9A80] =	vst v63  }
0x12: {  	_ =	swait.ge [sflag:s13], $0x140  }
0x13: {  	[sflag:s13] =	ssyncset.done $0x0  }
0x14: {  	[sflag:s13] =	ssyncadd.s32 $0xFFFFFEC0  }
0x15: {  	[tilespmem:s14], [sflag:$0x2] =	stream.linear.gather [hbm4b:s2+s3], $0x1780, $0x38;
	[tilespmem:$0x9A80] =	vst v63  }
0x16: {  	_ =	swait.ge [sflag:s13], $0x1780  }
0x17: {  	[sflag:s13] =	ssyncset.done $0x0  }
0x18: {  	s25 =	simm.s32 $0x0;
	[sflag:s13] =	ssyncadd.s32 $0xFFFFE880  }
0x19: {  	v0 =	vld [tilespmem:s25+$0x0];
	_ =	sdelay $0x4  }
0x1a: {  	vm0 =	vlt.s32 v0, $0x1770  }
0x1b: {  	v1 =	vnsel vm0, $0x0, v0;
	_ =	sdelay $0x4  }
0x1c: {  	v1 =	vld.idx.msk [tilespmem:v1+s14+$0x0], $0xffff;
	_ =	sdelay $0x3  }
0x1d: {  	v0 =	vadd.s32 $0xFA0, v0  }
0x1e: {  	s28 =	simm.s32 $0x40;
	s26 =	simm.s32 $0x80;
	v0 =	vsel vm0, v1, v0  }
.LBB2_2:
0x1f: {  	p0 =	sne.s32 s26, $0x4C0;
	s29 =	sshra.s32 s28, $0x2;
	[tilespmem:s25+$0x0] =	vst v0;
	v0 =	vadd.s32 $0x36B0, v0;
	s28 =	smov.u32 s26  }
0x20: {  	v1 =	vld [tilespmem:s29+$0x0];
	[tilespmem:s25+$0x180] =	vst v0;
	s25 =	smov.u32 s29;
	_ =	sdelay $0x4  }
0x21: {  	vm0 =	vlt.s32 v1, $0x1770  }
0x22: {  	v0 =	vnsel vm0, $0x0, v1;
	_ =	sdelay $0x4  }
0x23: {  	v0 =	vld.idx.msk [tilespmem:v0+s14+$0x0], $0xffff;
	_ =	sdelay $0x1  }
.Ltmp0:
0x24: {  	(pc) =	sbr.rel @p0 .LBB2_2-.Ltmp0, $3  }
0x25: {  	_ =	sdelay $0x1  }
0x26: {  	v1 =	vadd.s32 $0xFA0, v1  }
0x27: {  	s26 =	sadd.s32 $0x40, s26;
	v0 =	vsel vm0, v0, v1  }
0x28: {  	s26 =	sshra.s32 s28, $0x2;
	[tilespmem:s25+$0x0] =	vst v0  }
0x29: {  	v1 =	vld [tilespmem:s26+$0x0];
	_ =	sdelay $0x4  }
0x2a: {  	vm0 =	vlt.s32 v1, $0x1770  }
0x2b: {  	v2 =	vnsel vm0, $0x0, v1;
	_ =	sdelay $0x2  }
0x2c: {  	v63 =	vadd.s32 $0x36B0, v0  }
0x2d: {  	[tilespmem:s25+$0x180] =	vst v63  }
0x2e: {  	v0 =	vld.idx.msk [tilespmem:v2+s14+$0x0], $0xffff;
	_ =	sdelay $0x3  }
0x2f: {  	v1 =	vadd.s32 $0xFA0, v1  }
0x30: {  	v0 =	vsel vm0, v0, v1  }
0x31: {  	[tilespmem:s26+$0x0] =	vst v0;
	v0 =	vadd.s32 $0x36B0, v0  }
0x32: {  	[tilespmem:s26+$0x180] =	vst v0  }
0x33: {  	[tilespmem:s16], [sflag:$0x1] =	stream.indirect.gather [hbm4b:s4+s15], $0x80, s3, s15, $0xb8;
	[tilespmem:$0x9A80] =	vst v63  }
0x34: {  	_ =	swait.ge [sflag:s17], $0x4000  }
0x35: {  	[sflag:s17] =	ssyncset.done $0x0  }
0x36: {  	[sflag:s17] =	ssyncadd.s32 $0xFFFFC000  }
0x37: {  	[hbm4b:s6+s3] =	stream.linear.scatter [tilespmem:s16], [sflag:$0x2], $0x4000, $0x38;
	[tilespmem:$0x9A80] =	vst v63  }
0x38: {  	_ =	swait.ge [sflag:s13], $0x4000  }
0x39: {  	[sflag:s13] =	ssyncset.done $0x0  }
0x3a: {  	[sflag:s13] =	ssyncadd.s32 $0xFFFFC000  }
0x3b: {  	[tilespmem:s19], [sflag:$0x1] =	stream.indirect.gather [hbm4b:s4+s15], $0x80, s18, s15, $0xb8;
	[tilespmem:$0x9A80] =	vst v63  }
0x3c: {  	_ =	swait.ge [sflag:s17], $0x4000  }
0x3d: {  	[sflag:s17] =	ssyncset.done $0x0  }
0x3e: {  	[sflag:s17] =	ssyncadd.s32 $0xFFFFC000  }
0x3f: {  	[hbm4b:s7+s3] =	stream.linear.scatter [tilespmem:s19], [sflag:$0x2], $0x4000, $0x38;
	[tilespmem:$0x9A80] =	vst v63  }
0x40: {  	_ =	swait.ge [sflag:s13], $0x4000  }
0x41: {  	[sflag:s13] =	ssyncset.done $0x0  }
0x42: {  	[sflag:s13] =	ssyncadd.s32 $0xFFFFC000  }
0x43: {  	[tilespmem:s16], [sflag:$0x1] =	stream.indirect.gather [hbm4b:s4+s15], $0x80, s15, s15, $0xb8;
	[tilespmem:$0x9A80] =	vst v63  }
0x44: {  	_ =	swait.ge [sflag:s17], $0x4000  }
0x45: {  	[sflag:s17] =	ssyncset.done $0x0  }
0x46: {  	[sflag:s17] =	ssyncadd.s32 $0xFFFFC000  }
0x47: {  	[hbm4b:s8+s3] =	stream.linear.scatter [tilespmem:s16], [sflag:$0x2], $0x4000, $0x38;
	[tilespmem:$0x9A80] =	vst v63  }
0x48: {  	_ =	swait.ge [sflag:s13], $0x4000  }
0x49: {  	[sflag:s13] =	ssyncset.done $0x0  }
0x4a: {  	[sflag:s13] =	ssyncadd.s32 $0xFFFFC000  }
0x4b: {  	[tilespmem:s19], [sflag:$0x1] =	stream.indirect.gather [hbm4b:s4+s15], $0x80, s20, s15, $0xb8;
	[tilespmem:$0x9A80] =	vst v63  }
0x4c: {  	_ =	swait.ge [sflag:s17], $0x4000  }
0x4d: {  	[sflag:s17] =	ssyncset.done $0x0  }
0x4e: {  	[sflag:s17] =	ssyncadd.s32 $0xFFFFC000  }
0x4f: {  	[hbm4b:s9+s3] =	stream.linear.scatter [tilespmem:s19], [sflag:$0x2], $0x4000, $0x38;
	[tilespmem:$0x9A80] =	vst v63  }
0x50: {  	_ =	swait.ge [sflag:s13], $0x4000  }
0x51: {  	[sflag:s13] =	ssyncset.done $0x0  }
0x52: {  	[sflag:s13] =	ssyncadd.s32 $0xFFFFC000  }
0x53: {  	[tilespmem:s16], [sflag:$0x1] =	stream.indirect.gather [hbm4b:s4+s21], $0x80, s22, s21, $0xb8;
	[tilespmem:$0x9A80] =	vst v63  }
0x54: {  	_ =	swait.ge [sflag:s17], $0x2000  }
0x55: {  	[sflag:s17] =	ssyncset.done $0x0  }
0x56: {  	[sflag:s17] =	ssyncadd.s32 $0xFFFFE000  }
0x57: {  	[hbm4b:s10+s3] =	stream.linear.scatter [tilespmem:s16], [sflag:$0x2], $0x2000, $0x38;
	[tilespmem:$0x9A80] =	vst v63  }
0x58: {  	_ =	swait.ge [sflag:s13], $0x2000  }
0x59: {  	[sflag:s13] =	ssyncset.done $0x0  }
0x5a: {  	[sflag:s13] =	ssyncadd.s32 $0xFFFFE000  }
0x5b: {  	[tilespmem:s19], [sflag:$0x1] =	stream.indirect.gather [hbm4b:s4+s21], $0x80, s23, s21, $0xb8;
	[tilespmem:$0x9A80] =	vst v63  }
0x5c: {  	s24 =	sadd.s32 $0x1, s24;
	_ =	swait.ge [sflag:s17], $0x2000  }
0x5d: {  	p0 =	sne.s32 s24, s12;
	[sflag:s17] =	ssyncset.done $0x0  }
.Ltmp1:
0x5e: {  	[sflag:s17] =	ssyncadd.s32 $0xFFFFE000;
	(pc) =	sbr.rel @p0 .LBB2_1-.Ltmp1, $4  }
0x5f: {  	[hbm4b:s11+s3] =	stream.linear.scatter [tilespmem:s19], [sflag:$0x2], $0x2000, $0x38;
	[tilespmem:$0x9A80] =	vst v63  }
0x60: {  	_ =	swait.ge [sflag:s13], $0x2000  }
0x61: {  	[sflag:s13] =	ssyncset.done $0x0  }
0x62: {  	[sflag:s13] =	ssyncadd.s32 $0xFFFFE000  }
0x63: {  	_ =	sfence.sel $0x180000  }
0x64: {  	[bflag:$0x0] =	sbarrier.arrive $0xFFFF  }
0x65: {  	p0 =	sne.s32 s1, $0x0;
	_ =	strace $0x90000047  }
0x66: {  	s0 =	sadd.s32 @!p0 $0x100000, s0;
	[bflag:$0x2] =	sbarrier.arrive $0xFFFF  }
0x67: {  	[sflag:s0] =	ssyncadd.tile.s32 @!p0 $0x1;
	_ =	shalt  }
.Lfunc_end2:
_tile_overlayer_lowered:
.L_overlay_start_2:
0x68: {  	(tag) =	ssettag $0x2  }
0x69: {  	s0 =	rddreg [dreg:$0x0];
	s2 =	stileid.u32  }
0x6a: {  	s1 =	rddreg [dreg:$0x1];
	p0 =	sne.s32 s2, $0x0  }
0x6b: {  	s3 =	rddreg [dreg:$0x2];
	[bflag:$0x3] =	sbarrier.arrive $0xFFFF;
	s2 =	simm.s32 @!p0 $0x1C02  }
0x6c: {  	[timem:s3], [sflag:s2] =	dma.local @!p0 [hbm:s0], s1  }
0x6d: {  	s0 =	simm.s32 @!p0 $0x2  }
0x6e: {  	_ =	swait.ge @!p0 [sflag:s0], s1  }
0x6f: {  	s1 =	ssub.s32 @!p0 $0x0, s1;
	[sflag:s0] =	ssyncset.done @!p0 $0x0  }
0x70: {  	[sflag:s0] =	ssyncadd.s32 @!p0 s1  }
0x71: {  	[bflag:$0x3] =	sbarrier.arrive $0xFFFF  }
0x72: {  	_ =	shalt  }

// kernel: scatter_offload_async_start
scs
__scs_entry_jumppad:
0x0: {  	(pc) =	sbr.rel $0x88, $3  }
0x1: {  	(tag) =	ssettag $0x0;
	lr =	simm.s32 $0x1  }
0x2: {  	[smem:$0x3F92] =	sst lr;
	_ =	strace $0xD0000000  }
0x3: {  	_ = 	snop  }
0x4: {  	_ = 	snop  }
0x5: {  	_ = 	snop  }
0x6: {  	_ = 	snop  }
0x7: {  	_ = 	snop  }
__scs_overlays_trampoline_lowered:
0x8: {  	[smem:$0x3FA1] =	sst s0  }
0x9: {  	[smem:$0x3FA2] =	sst s1  }
0xa: {  	[smem:$0x3FA3] =	sst s2  }
0xb: {  	[smem:$0x3FA4] =	sst s3  }
0xc: {  	[smem:$0x3FA5] =	sst s4  }
0xd: {  	[smem:$0x3FA6] =	sst s5  }
0xe: {  	[smem:$0x3FA7] =	sst s6  }
0xf: {  	[smem:$0x3FA8] =	sst s7  }
0x10: {  	[smem:$0x3FA9] =	sst s8  }
0x11: {  	[smem:$0x3FAA] =	sst s9;
	s0 =	simm.s32 @!p0 $0x0  }
0x12: {  	s1 =	sld [smem:$0x3F90];
	s0 =	simm.s32 @p0 $0x1  }
0x13: {  	[smem:$0x3FAB] =	sst s0;
	s0 =	simm.s32 @!p1 $0x0  }
0x14: {  	s2 =	sld [smem:$0x3F8F];
	s0 =	simm.s32 @p1 $0x1  }
0x15: {  	[smem:$0x3FAC] =	sst s0;
	s0 =	simm.s32 @!p2 $0x0  }
0x16: {  	s3 =	sld [smem:$0x3FDB];
	s0 =	simm.s32 @p2 $0x1  }
0x17: {  	s4 =	simm.s32 $0x1BF5;
	[smem:$0x3FAE] =	sst s0  }
0x18: {  	s0 =	sld [smem:$0x3F91];
	_ =	swait.ge [sflag:s4], $0x0  }
0x19: {  	s7 =	sld [smem:$0x3F92]  }
0x1a: {  	s8 =	sadd.s32 $0xFFFFE003, lr  }
0x1b: {  	s9 =	sadd.s32 $0xFFFFFEF7, lr;
	s5 =	simm.s32 $0xFFFFFFFF;
	p2 =	slt.u32 s8, $0xFFFFF086  }
0x1c: {  	p1 =	slt.u32 s9, $0xF7A;
	s5 =	simm.s32 @!p2 $0x0  }
0x1d: {  	s5 =	simm.s32 @p1 $0x1;
	p0 =	seq.s32 s7, s2  }
0x1e: {  	s7 =	smul.u32 @!p0 $0xF7A, s2;
	p2 =	seq.s32 @!p0 s5, $0x0  }
0x1f: {  	s9 =	smul.u32 $0xF7A, s1;
	s8 =	simm.s32 @!p0 $0x1BF5;
	p2 =	por !p2, p0  }
0x20: {  	[sflag:s8] =	ssyncset.s32 @!p0 $0xFFFFF086;
	s6 =	sadd.s32 @!p0 s3, s7;
	s7 =	simm.s32 @!p0 $0x108  }
0x21: {  	s3 =	sadd.s32 s3, s9;
	s6 =	sadd.s32 @!p0 $0x88, s6;
	s7 =	simm.s32 @p2 $0x1082  }
0x22: {  	[simem:s7], [sflag:s8] =	dma.local @!p0 [hbm:s6], $0xF7A  }
0x23: {  	s9 =	sor.u32 $0xD0000000, s2;
	s6 =	simm.s32 $0x108;
	_ =	swait.ge @!p0 [sflag:s8], $0x0  }
0x24: {  	s3 =	sadd.s32 $0x88, s3;
	s6 =	simm.s32 @!p1 $0x1082;
	[sflag:s4] =	ssyncset.s32 $0xFFFFF086  }
0x25: {  	[simem:s6], [sflag:s4] =	dma.local [hbm:s3], $0xF7A  }
0x26: {  	[smem:$0x3F92] =	sst s1;
	(tag) =	ssettag s2;
	_ =	strace s9  }
0x27: {  	s1 =	sld [smem:$0x3FA2]  }
0x28: {  	s2 =	sld [smem:$0x3FA3]  }
0x29: {  	s4 =	sld [smem:$0x3FA5]  }
0x2a: {  	p0 =	seq.s32 s5, $0x0;
	s5 =	sld [smem:$0x3FA6]  }
0x2b: {  	s6 =	sld [smem:$0x3FA7]  }
0x2c: {  	s7 =	sld [smem:$0x3FA8]  }
0x2d: {  	s3 =	simm.s32 $0x108;
	s8 =	sld [smem:$0x3FA9]  }
0x2e: {  	s3 =	simm.s32 @!p0 $0x1082;
	s9 =	sld [smem:$0x3FAA]  }
0x2f: {  	lr =	sadd.s32 s0, s3;
	s0 =	sld [smem:$0x3FA1]  }
0x30: {  	s3 =	sld [smem:$0x3FA4]  }
0x31: {  	[smem:$0x3FAD] =	sst s10  }
0x32: {  	s10 =	sld [smem:$0x3FAB];
	_ =	sdelay $0x3  }
0x33: {  	p0 =	seq.s32 s10, $0x1;
	s10 =	sld [smem:$0x3FAD];
	_ =	sdelay $0x3  }
0x34: {  	[smem:$0x3FAD] =	sst s10  }
0x35: {  	s10 =	sld [smem:$0x3FAC];
	_ =	sdelay $0x3  }
0x36: {  	p1 =	seq.s32 s10, $0x1;
	s10 =	sld [smem:$0x3FAD];
	_ =	sdelay $0x3  }
0x37: {  	[smem:$0x3FAD] =	sst s10  }
0x38: {  	s10 =	sld [smem:$0x3FAE]  }
0x39: {  	_ = 	snop;
	(pc) =	sbr.ind lr, $3  }
0x3a: {  	_ = 	snop  }
0x3b: {  	_ = 	snop  }
0x3c: {  	p2 =	seq.s32 s10, $0x1;
	s10 =	sld [smem:$0x3FAD]  }
0x3d: {  	_ =	shalt  }
0x3e: {  	_ =	shalt  }
0x3f: {  	_ =	shalt  }
0x40: {  	_ =	shalt  }
0x41: {  	_ =	shalt  }
0x42: {  	_ =	shalt  }
0x43: {  	_ =	shalt  }
0x44: {  	_ =	shalt  }
0x45: {  	_ =	shalt  }
0x46: {  	_ =	shalt  }
0x47: {  	_ =	shalt  }
0x48: {  	_ =	shalt  }
0x49: {  	_ =	shalt  }
0x4a: {  	_ =	shalt  }
0x4b: {  	_ =	shalt  }
0x4c: {  	_ =	shalt  }
0x4d: {  	_ =	shalt  }
0x4e: {  	_ =	shalt  }
0x4f: {  	_ =	shalt  }
0x50: {  	_ =	shalt  }
0x51: {  	_ =	shalt  }
0x52: {  	_ =	shalt  }
0x53: {  	_ =	shalt  }
0x54: {  	_ =	shalt  }
0x55: {  	_ =	shalt  }
0x56: {  	_ =	shalt  }
0x57: {  	_ =	shalt  }
0x58: {  	_ =	shalt  }
0x59: {  	_ =	shalt  }
0x5a: {  	_ =	shalt  }
0x5b: {  	_ =	shalt  }
0x5c: {  	_ =	shalt  }
0x5d: {  	_ =	shalt  }
0x5e: {  	_ =	shalt  }
0x5f: {  	_ =	shalt  }
0x60: {  	_ =	shalt  }
0x61: {  	_ =	shalt  }
0x62: {  	_ =	shalt  }
0x63: {  	_ =	shalt  }
0x64: {  	_ =	shalt  }
0x65: {  	_ =	shalt  }
0x66: {  	_ =	shalt  }
0x67: {  	_ =	shalt  }
0x68: {  	_ =	shalt  }
0x69: {  	_ =	shalt  }
0x6a: {  	_ =	shalt  }
0x6b: {  	_ =	shalt  }
0x6c: {  	_ =	shalt  }
0x6d: {  	_ =	shalt  }
0x6e: {  	_ =	shalt  }
0x6f: {  	_ =	shalt  }
0x70: {  	_ =	shalt  }
0x71: {  	_ =	shalt  }
0x72: {  	_ =	shalt  }
0x73: {  	_ =	shalt  }
0x74: {  	_ =	shalt  }
0x75: {  	_ =	shalt  }
0x76: {  	_ =	shalt  }
0x77: {  	_ =	shalt  }
0x78: {  	_ =	shalt  }
0x79: {  	_ =	shalt  }
0x7a: {  	_ =	shalt  }
0x7b: {  	_ =	shalt  }
0x7c: {  	_ =	shalt  }
0x7d: {  	_ =	shalt  }
0x7e: {  	_ =	shalt  }
0x7f: {  	_ =	shalt  }
0x80: {  	_ =	shalt  }
0x81: {  	_ =	shalt  }
0x82: {  	_ =	shalt  }
0x83: {  	_ =	shalt  }
0x84: {  	_ =	shalt  }
0x85: {  	_ =	shalt  }
0x86: {  	_ =	shalt  }
0x87: {  	_ =	shalt  }
.Lfunc_end0:
.L_simem_size_0:
called_computation_lowered:
.L_overlay_start_0:
0x88: {  	s0 =	sld [smem:$0x3FD9]  }
0x89: {  	s1 =	sld [smem:$0x3FFE];
	_ =	sdelay $0x3  }
0x8a: {  	s0 =	sadd.s32 s1, s0  }
0x8b: {  	[smem:$0x3FB9] =	sst s0  }
0x8c: {  	_ = 	snop  }
0x8d: {  	(tm) =	ssettm $0x1  }
0x8e: {  	s15 =	sld [smem:$0x3FFB];
	_ =	sdelay $0x3  }
0x8f: {  	_ =	strace s15  }
0x90: {  	s0 =	sld [smem:$0x3FFC];
	_ =	sdelay $0x3  }
0x91: {  	_ =	strace s0  }
0x92: {  	s0 =	sld [smem:$0x3FFD];
	_ =	sdelay $0x3  }
0x93: {  	_ =	strace s0  }
0x94: {  	_ =	strace $0x8FFFFFFF  }
0x95: {  	s16 =	sld [smem:$0x3FDB];
	_ =	sdelay $0x1  }
0x96: {  	s17 =	simm.s32 $_scs_section_size  }
0x97: {  	s2 =	simm.s32 $_size__tile_overlayer_lowered;
	s3 =	simm.s32 $_tile_overlayer_lowered  }
0x98: {  	s20 =	simm.s32 $0x1BFF;
	s19 =	sshll.u32 s3, $0x1;
	s0 =	sadd.s32 s17, s16  }
0x99: {  	s4 =	simm.s32 $0x0;
	s18 =	sshll.u32 s2, $0x1;
	s2 =	sadd.s32 s19, s0  }
0x9a: {  	[timem:s4], [sflag:s20] =	dma.local [hbm:s2], s18  }
0x9b: {  	_ =	swait.ge [sflag:s20], s18  }
0x9c: {  	s1 =	ssub.s32 $0x0, s18;
	[sflag:s20] =	ssyncset.done $0x0  }
0x9d: {  	[sflag:s20] =	ssyncadd.s32 s1;
	_ =	sdelay $0x1  }
0x9e: {  	s21 =	simm.s32 $0x1B8B  }
0x9f: {  	_ =	swait.ge [sflag:s21], $0x1  }
0xa0: {  	[sflag:s21] =	ssyncset.done $0x0  }
0xa1: {  	s23 =	simm.s32 $0x1B8E;
	s22 =	sld [smem:$0x3FFE];
	[sflag:s21] =	ssyncadd.s32 $0xFFFFFFFF  }
0xa2: {  	s24 =	simm.s32 $execute0_lowered;
	[smem:$0x3FD2] =	sst s23  }
0xa3: {  	s2 =	sshll.u32 s24, $0x1;
	_ =	strace $0x80000049;
	[dreg:$0x1] =	wrdreg $0xFFFFFFFF  }
0xa4: {  	s25 =	simm.s32 $_size_execute0_lowered;
	s0 =	sadd.s32 s0, s2;
	[dreg:$0x0] =	wrdreg $0x0  }
0xa5: {  	s2 =	sshll.u32 s25, $0x1;
	[dreg:$0x2] =	wrdreg s0  }
0xa6: {  	[dreg:$0x3] =	wrdreg s2  }
0xa7: {  	[dreg:$0x4] =	wrdreg $0xC0  }
0xa8: {  	_ =	task [dreg:s4], $0x5FFFF  }
0xa9: {  	[dreg:$0x1] =	wrdreg $0xFFFFFFFF  }
0xaa: {  	[dreg:$0x0] =	wrdreg $0x60  }
0xab: {  	[dreg:$0x2] =	wrdreg s22  }
0xac: {  	[dreg:$0x3] =	wrdreg $0x9  }
0xad: {  	_ =	task.clear_ibuf [dreg:s4], $0x4FFFF;
	_ =	strace $0x90000049  }
0xae: {  	s26 =	simm.s32 $0x9;
	_ =	strace $0x8000004B  }
0xaf: {  	_ =	swait.ge [sflag:s26], $0x1  }
0xb0: {  	[sflag:s26] =	ssyncadd.s32 $0xFFFFFFFF  }
0xb1: {  	_ =	strace $0x9000004B  }
0xb2: {  	_ =	sfence  }
0xb3: {  	s28 =	sld [smem:$0x0];
	_ =	sdelay $0x1  }
0xb4: {  	s29 =	srdreg.scid  }
0xb5: {  	s30 =	sshll.u32 s29, $0xD;
	s31 =	sshrl.u32 s29, $0x2  }
0xb6: {  	s1 =	sand.u32 $0x1, s29;
	s2 =	sand.u32 $0x4000, s30;
	s0 =	sadd.s32 s31, s28  }
0xb7: {  	s1 =	sor.u32 s2, s1;
	s0 =	sshll.u32 s0, $0x11  }
0xb8: {  	s0 =	sor.u32 s0, s1  }
0xb9: {  	s0 =	sadd.s32 $0x8F2B, s0  }
0xba: {  	[sflag:s0] =	ssyncadd.remote.s32 $0x1  }
0xbb: {  	_ =	sfence.sel $0xFFFF  }
0xbc: {  	[dreg:$0x0] =	wrdreg $0xFFFFFFFF;
	(pc) =	sbr.abs _section_cstart, $3  }
0xbd: {  	[dreg:$0x1] =	wrdreg $0xFFFFFFFF  }
0xbe: {  	_ =	task.clear_ibuf [dreg:s4], $0x2FFFF;
	_ =	strace $0x9FFFFFFF  }
0xbf: {  	(tm) =	ssettm $0x7FFFFFFF  }
tec
execute0_lowered:
.L_overlay_start_1:
0x0: {  	(tag) =	ssettag $0x1  }
0x1: {  	s0 =	rddreg [dreg:$0x0]  }
0x2: {  	s14 =	stileid.u32;
	_ =	strace $0x8000004A;
	s2 =	simm.s32 $0x1  }
0x3: {  	v1 =	vimm.s32 $0xFFFFFFFF;
	s1 =	smin.u32 s14, $0x4;
	[sflag:s2] =	ssyncpa.u1 $0x0  }
0x4: {  	s1 =	sadd.s32 s14, s1;
	[tilespmem:$0x10] =	vst v1  }
0x5: {  	v0 =	vimm.f32 $0.0e+00;
	p0 =	slt.u32 s14, $0x4;
	[tilespmem:$0x20] =	vst v1;
	s3 =	smul.u32 $0x1F40, s1;
	s1 =	simm.s32 $0x3E80  }
0x6: {  	[tilespmem:$0x30] =	vst v0;
	s1 =	simm.s32 @!p0 $0x1F40  }
0x7: {  	[tilespmem:$0x40] =	vst v0;
	s1 =	sadd.s32 s1, s3  }
0x8: {  	[tilespmem:$0x50] =	vst v0;
	s4 =	smin.u32 s1, $0x27100  }
0x9: {  	[tilespmem:$0x60] =	vst v1;
	s9 =	ssub.s32 s4, s3  }
0xa: {  	s7 =	simm.s32 $0x2;
	s8 =	simm.s32 $0x8;
	[tilespmem:$0x70] =	vst v1;
	p0 =	sgt.s32 s9, $0x0  }
0xb: {  	s31 =	simm.s32 $0x9;
	s16 =	simm.s32 $0x0;
	[tilespmem:$0x80] =	vst v1;
	s9 =	simm.s32 @!p0 $0x0  }
0xc: {  	s17 =	simm.s32 $0xF0;
	s18 =	simm.s32 $0xFFFFFFFF;
	v1 =	vimm.s32 $0x0;
	[tilespmem:$0xB0] =	vst v0;
	s5 =	smulhi.u32 $0x10624DD3, s9  }
0xd: {  	s19 =	simm.s32 $0xFFFFC280;
	s20 =	simm.s32 $0xFFFFFFFE;
	s21 =	simm.s32 $0xF;
	[tilespmem:$0x90] =	vst v1  }
0xe: {  	[tilespmem:$0xA0] =	vst v1;
	[sflag:s7] =	ssyncpa.u1 $0x0;
	s7 =	simm.s32 $0x7;
	s10 =	sshrl.u32 s5, $0x9  }
0xf: {  	s25 =	simm.s32 $0x0;
	[sflag:s7] =	ssyncpa.u1 $0x0;
	s11 =	smul.u32 $0x1F40, s10  }
0x10: {  	s24 =	simm.s32 $0x0;
	s6 =	sadd.s32 $0xC8400, s0;
	[sflag:s8] =	ssyncpa.u1 $0x0  }
.Ltmp0:
0x11: {  	s23 =	smov.u32 s3;
	p0 =	sne.s32 s9, s11;
	(pc) =	sbr.rel .LBB2_1-.Ltmp0, $4  }
0x12: {  	s1 =	sadd.s32 $0xD7200, s0;
	[sflag:s31] =	ssyncpa.u1 $0x0;
	s2 =	simm.s32 @!p0 $0x0  }
0x13: {  	s5 =	sadd.s32 $0xC3400, s0;
	p0 =	por $0x0, $0x0;
	s9 =	sadd.s32 s2, s10  }
0x14: {  	vm0 =	vmmov $0xffff;
	v2 =	vlaneseq.u32;
	s10 =	sshll.u32 s14, $0x1;
	s14 =	sshllo.u32 s14, $0x1;
	s11 =	sadd.s32 $0x1, s9  }
0x15: {  	vm1 =	vmxor vm1, vm1;
	vm2 =	vmmov $0x1;
	vm3 =	vcmask $0x3F3C;
	s12 =	sadd.s32 $0x2, s9;
	s13 =	sor.u32 $0x81, s10;
	s15 =	sor.u32 $0x80, s10  }
.LBB2_9:
0x16: {  	p1 =	slt.u32 s24, $0x3  }
0x17: {  	s0 =	simm.s32 @!p1 $0x2  }
0x18: {  	_ =	swait.ge @!p1 [sflag:s0], $0x1F40  }
0x19: {  	[sflag:s0] =	ssyncset.done @!p1 $0x0  }
0x1a: {  	[sflag:s0] =	ssyncadd.s32 @!p1 $0xFFFFE0C0;
	s0 =	simm.s32 @!p1 $0x9  }
0x1b: {  	_ =	swait.ge @!p1 [sflag:s0], $0x10  }
0x1c: {  	[sflag:s0] =	ssyncset.done @!p1 $0x0  }
0x1d: {  	[sflag:s0] =	ssyncadd.s32 @!p1 $0xFFFFFFF0;
	p1 =	sne.s32 s24, s12  }
.Ltmp1:
0x1e: {  	s2 =	sadd.s32 $0x1F40, s23;
	(pc) =	sbr.rel @!p1 .LBB2_10-.Ltmp1, $4  }
0x1f: {  	s22 =	smov.u32 s3;
	s31 =	sadd.s32 $0x1, s24;
	s17 =	sadd.s32 $0x1F40, s17  }
0x20: {  	s18 =	sadd.s32 $0x1, s18;
	s25 =	smov.u32 s23;
	p2 =	slt.s32 s2, s4  }
0x21: {  	p0 =	por !p0, !p0;
	s19 =	sadd.s32 $0x1F40, s19;
	s22 =	smov.u32 @p2 s2  }
0x22: {  	s20 =	sadd.s32 $0x1, s20;
	s23 =	smov.u32 s22;
	s24 =	smov.u32 s31  }
.LBB2_1:
0x23: {  	p1 =	sge.u32 s24, s9  }
0x24: {  	s0 =	smulhi.u32 @!p1 $0xAAAAAAAB, s24;
	_ =	sdelay $0x1  }
0x25: {  	s0 =	sshrl.u32 @!p1 s0, $0x1  }
0x26: {  	s0 =	smul.u32 @!p1 $0x3, s0;
	_ =	sdelay $0x1  }
0x27: {  	s0 =	ssub.s32 @!p1 s24, s0  }
0x28: {  	s0 =	smul.u32 @!p1 $0x7D00, s0;
	_ =	sdelay $0x1  }
0x29: {  	s2 =	sshrl.u32 @!p1 s23, $0x3;
	s0 =	sshrl.u32 @!p1 s0, $0x2  }
0x2a: {  	s22 =	sand.u32 @!p1 $0x7, s23;
	s2 =	sadd.s32 @!p1 s5, s2;
	s0 =	sadd.s32 @!p1 $0x100, s0  }
0x2b: {  	[tilespmem:s0], [sflag:$0x7] =	stream.linear.gather @!p1 [hbm4b:s2+s22], $0x1F40, $0x38;
	[tilespmem:$0x11A60] =	vst v63  }
0x2c: {  	s0 =	sadd.s32 $0xFFFFFFFF, s24  }
0x2d: {  	p1 =	sge.u32 s0, s9  }
.Ltmp2:
0x2e: {  	_ = 	snop;
	(pc) =	sbr.rel @p1 .LBB2_5-.Ltmp2, $1  }
0x2f: {  	_ =	sdelay $0x3  }
0x30: {  	s2 =	smulhi.u32 $0xAAAAAAAB, s0;
	_ =	sdelay $0x1  }
0x31: {  	s2 =	sshrl.u32 s2, $0x1  }
0x32: {  	s2 =	smul.u32 $0x3, s2;
	_ =	sdelay $0x1  }
0x33: {  	s2 =	ssub.s32 s0, s2  }
0x34: {  	s2 =	smul.u32 $0x7D00, s2  }
0x35: {  	_ =	swait.ge [sflag:s7], $0x1F40  }
0x36: {  	[sflag:s7] =	ssyncset.done $0x0;
	s2 =	sshrl.u32 s2, $0x2  }
0x37: {  	[sflag:s7] =	ssyncadd.s32 $0xFFFFE0C0;
	(ifvalue) =	ssetifvalue $0xFFFFFFFF;
	v3 =	vld.msk [tilespmem:s2+$0x100 ss:$0x1], $0xffff;
	_ =	sdelay $0x2  }
0x38: {  	s30 =	smulhi.u32 $0xAAAAAAAB, s18;
	p1 =	sne.s32 s24, $0x1  }
0x39: {  	v4 =	vimm.s32 @!p1 $0x0  }
0x3a: {  	s2 =	sshrl.u32 s30, $0x1;
	v4 =	vperm.xlane @!p1 v3, v4  }
0x3b: {  	s22 =	sshll.u32 s24, $0x4;
	s2 =	smul.u32 $0xFFFE8900, s2;
	vm4 =	vlt.u32 v3, $0x2800  }
0x3c: {  	s22 =	sand.u32 $0x10, s22;
	v3 =	vnsel vm4, $0xFFFFFFFE, v3;
	vm4 =	vlt.u32 @!p1 v4, $0x2800  }
0x3d: {  	s2 =	sshra.s32 s2, $0x2;
	[tilespmem:s22+$0x60] =	vst v3;
	v3 =	vnsel @!p1 vm4, $0xFFFFFFFE, v4  }
0x3e: {  	s28 =	sadd.s32 s2, s17;
	[tilespmem:$0x80] =	vst @!p1 v3  }
0x3f: {  	v3 =	vld.msk [tilespmem:s28+$0x0 ss:$0x1], $0xffff;
	_ =	sdelay $0x4  }
0x40: {  	(xrf1) =	vunique.msk.u32 $0xffff, v3;
	_ =	sdelay $0xd  }
0x41: {  	v4 =	vimm.s32 $0xFFFFFFFF;
	v5, _, _ =	vpop (xrf1)  }
0x42: {  	vm5 =	vne.s32 v3, v4;
	vm4 =	veq.s32 v5, v2  }
0x43: {  	vm6 =	vlt.u32 v3, $0x2800;
	vm4 =	vmand vm5, vm4  }
0x44: {  	vm4 =	vmand vm6, vm4  }
0x45: {  	v4 =	vnsel vm4, $0xFFFFFFFF, v3  }
0x46: {  	s31 =	sand.u32 $0x1, s0  }
0x47: {  	s0 =	simm.s32 $0x1F40;
	p1 =	seq.s32 s31, $0x1  }
0x48: {  	s0 =	simm.s32 @!p1 $0x0  }
0x49: {  	s26 =	sadd.s32 $0x7DF0, s0;
	(ifvalue) =	ssetifvalue $0xFFFFFFFF  }
0x4a: {  	v3 =	vperm.xlane v3, v1;
	[tilespmem:s26], [sflag:$0x8] =	stream.indirect_vreg.gather [hbm4b:s1+s16], $0x1, v4, vm0, $0x4038;
	v4 =	vnsel vm6, $0xFFFFFFFE, v4;
	[tilespmem:$0x11A60] =	vst v63  }
0x4b: {  	s2 =	simm.s32 $0x0;
	s22 =	sadd.s32 $0xFFFFFFF0, s28;
	[tilespmem:s28+$0x0] =	vst v4  }
.LBB2_3:
0x4c: {  	v4 =	vld.msk [tilespmem:s22+$0x0 ss:$0x1], $0xffff;
	s2 =	sadd.s32 $0x10, s2;
	v5 =	vmov v3;
	s28 =	smov.u32 s22  }
0x4d: {  	p1 =	slt.u32 s2, $0x1F30;
	_ =	sdelay $0x4  }
0x4e: {  	v3 =	vperm.xlane v4, v1;
	(xrf1) =	vunique.msk.u32 $0xffff, v4;
	_ =	sdelay $0xd  }
0x4f: {  	v6, _, _ =	vpop (xrf1)  }
0x50: {  	vm5 =	vne.s32 v4, v5;
	vm4 =	veq.s32 v6, v2  }
0x51: {  	vm6 =	vlt.u32 v4, $0x2800;
	vm4 =	vmand vm5, vm4  }
0x52: {  	vm4 =	vmand vm6, vm4  }
0x53: {  	v4 =	vnsel vm4, $0xFFFFFFFF, v4  }
.Ltmp3:
0x54: {  	v5 =	vnsel vm6, $0xFFFFFFFE, v4;
	(pc) =	sbr.rel @p1 .LBB2_3-.Ltmp3, $3  }
0x55: {  	_ =	sdelay $0x1  }
0x56: {  	s22 =	sadd.s32 $0xFFFFFFF0, s22;
	s26 =	sadd.s32 $0xFFFFFFF0, s26;
	(ifvalue) =	ssetifvalue $0xFFFFFFFF  }
0x57: {  	[tilespmem:s26], [sflag:$0x8] =	stream.indirect_vreg.gather [hbm4b:s1+s16], $0x1, v4, vm0, $0x4038;
	[tilespmem:s28+$0x0] =	vst v5  }
0x58: {  	s2 =	sshrl.u32 s25, $0x3  }
0x59: {  	s0 =	sadd.s32 $0x9D40, s0;
	s2 =	sadd.s32 s6, s2  }
0x5a: {  	[tilespmem:s0], [sflag:$0x8] =	stream.linear.gather [hbm:s2], $0x1F40, $0x38;
	[tilespmem:$0x11A60] =	vst v63  }
.LBB2_5:
0x5b: {  	p1 =	slt.u32 s24, $0x2  }
0x5c: {  	p2 =	sge.u32 @!p1 s24, s12  }
0x5d: {  	p1 =	por p1, p2  }
.Ltmp4:
0x5e: {  	_ = 	snop;
	(pc) =	sbr.rel @p1 .LBB2_9-.Ltmp4, $1  }
0x5f: {  	_ =	sdelay $0x3  }
0x60: {  	s0 =	sadd.s32 $0xFFFFFFFE, s24  }
0x61: {  	s2 =	smulhi.u32 $0xAAAAAAAB, s0;
	_ =	sdelay $0x1  }
0x62: {  	s2 =	sshrl.u32 s2, $0x1  }
0x63: {  	s2 =	smul.u32 $0x3, s2;
	_ =	sdelay $0x1  }
0x64: {  	s0 =	ssub.s32 s0, s2  }
0x65: {  	_ =	swait.ge [sflag:s8], $0x3E80;
	s0 =	smul.u32 $0x1F40, s0  }
0x66: {  	p1 =	sne.s32 s24, s11;
	[sflag:s8] =	ssyncset.done $0x0  }
0x67: {  	[sflag:s8] =	ssyncadd.s32 $0xFFFFC180;
	s2 =	sadd.s32 @!p1 $0x203F, s0  }
0x68: {  	[spmem:s13] =	stream.linear.scatter @!p1 [tilespmem:s2], [sflag:$0x1], $0x1, $0x38;
	[tilespmem:$0x11A60] =	vst v63  }
0x69: {  	s2 =	simm.s32 @!p1 $0x1  }
0x6a: {  	_ =	swait.ge @!p1 [sflag:s2], $0x1  }
0x6b: {  	s22 =	sshll.u32 s24, $0x4;
	[sflag:s2] =	ssyncset.done @!p1 $0x0  }
0x6c: {  	s25 =	sand.u32 $0x10, s22;
	[sflag:s2] =	ssyncadd.s32 @!p1 $0xFFFFFFFF  }
0x6d: {  	s2 =	sxor.u32 $0x10, s25;
	v4 =	vld [tilespmem:s25+$0x10]  }
0x6e: {  	v5 =	vld [tilespmem:s2+$0x60]  }
0x6f: {  	v3 =	vld [tilespmem:$0x80];
	_ =	sdelay $0x2  }
0x70: {  	(v2sf) =	vpush v4, $0x0  }
0x71: {  	(v2sf) =	vpush v5, $0x0  }
0x72: {  	(v2sf) =	vpush v3, $0x0;
	_ =	sdelay $0xc  }
0x73: {  	s22 =	spop (v2sf)  }
0x74: {  	s26 =	spop (v2sf)  }
0x75: {  	s28 =	spop (v2sf)  }
0x76: {  	p2 =	seq.s32 s22, s26;
	p3 =	seq.s32 s28, s22  }
0x77: {  	p3 =	por p2, p3  }
0x78: {  	s26 =	sand.u32 $0x1, s24;
	v4 =	vpsel p3, $0xFFFFFFFF, v4  }
0x79: {  	s29 =	smul.u32 $0x1F40, s26;
	[tilespmem:s25+$0x10] =	vst.msk $0x1, v4  }
0x7a: {  	v4 =	vld [tilespmem:$0x30]  }
0x7b: {  	v5 =	vld [tilespmem:s29+$0x9D40]  }
0x7c: {  	v6 =	vld [tilespmem:s25+$0x40];
	_ =	sdelay $0x3  }
0x7d: {  	vm4 =	vmmov vm1;
	v5 =	vadd.f32 v5, v4  }
0x7e: {  	vm5 =	vmmov vm2;
	vm4 =	vmmov @p2 vm2;
	s22 =	sshll.u32 s26, $0x4;
	v4 =	vadd.f32 v6, v4  }
0x7f: {  	s26 =	sor.u32 $0x11A40, s22;
	vm5 =	vmmov @p3 vm1;
	[tilespmem:s29+$0x9D40] =	vst.msk vm4, v5  }
0x80: {  	[tilespmem:s26+$0x0] =	vst.msk vm5, v4  }
0x81: {  	v4 =	vld [tilespmem:s29+$0x7DF0];
	_ =	sdelay $0x3  }
0x82: {  	v5 =	vimm.f32 $0.0e+00  }
0x83: {  	v4 =	vshift.insert v4, v5, s21  }
0x84: {  	s22 =	sor.u32 $0x40, s2  }
0x85: {  	[tilespmem:s22+$0x0] =	vst.msk $0x1, v4  }
0x86: {  	[tilespmem:s29+$0x7DFF] =	vst.msk $0x1, v5  }
0x87: {  	v4 =	vld [tilespmem:s0+$0x2030];
	_ =	sdelay $0x1  }
0x88: {  	s22 =	smulhi.u32 $0xAAAAAAAB, s20;
	s0 =	simm.s32 $0x1  }
0x89: {  	s0 =	simm.s32 @!p0 $0x0  }
0x8a: {  	s22 =	sshrl.u32 s22, $0x1;
	s0 =	smul.u32 $0x7D00, s0  }
0x8b: {  	s22 =	smul.u32 $0xFFFE8900, s22;
	v4 =	vshift.insert v4, v1, s21  }
0x8c: {  	s0 =	sshrl.u32 s0, $0x2  }
0x8d: {  	s22 =	sshra.s32 s22, $0x2;
	s30 =	sadd.s32 $0x9D40, s0;
	[tilespmem:s2+$0x10] =	vst.msk $0x1, v4  }
0x8e: {  	s22 =	sadd.s32 s22, s19;
	v6 =	vld [tilespmem:s30+$0x0]  }
0x8f: {  	v7 =	vld [tilespmem:s22+$0x0];
	_ =	sdelay $0x3  }
0x90: {  	v5 =	vadd.f32 v6, v5  }
0x91: {  	vm4 =	vne.s32 v7, $0xFFFFFFFF  }
0x92: {  	(xrf2) =	vadd.seg.scan.f32 vm4, v5;
	_ =	sdelay $0x3  }
0x93: {  	s31 =	sadd.s32 $0x5EC0, s0;
	v5 =	vperm.xlane v4, v1  }
0x94: {  	v6 =	vld [tilespmem:s31+$0x0]  }
0x95: {  	vm5 =	veq.s32 v7, v3;
	vm6 =	veq.s32 v7, v5  }
0x96: {  	vm7 =	vgt.u32 v7, $0xFFFFFFFD;
	vm6 =	vmor vm6, vm5  }
0x97: {  	vm6 =	vmor vm6, vm7  }
0x98: {  	v9 =	vld [tilespmem:$0xA0];
	v7 =	vsel vm6, $0xFFFFFFFF, v7  }
0x99: {  	v10 =	vld [tilespmem:$0x90];
	v6 =	vsel vm5, $0x0, v6;
	v8, _, _ =	vpop (xrf2)  }
0x9a: {  	v6 =	vadd.f32 v8, v6  }
0x9b: {  	s0 =	sadd.s32 $0xDBC0, s0  }
0x9c: {  	vm4 =	vmand vm4, vm3;
	[tilespmem:s0+$0x0] =	vst v6;
	(ifvalue) =	ssetifvalue $0xFFFFFFFF  }
0x9d: {  	vm6 =	veq.s32 v9, $0x1;
	[hbm4b:s1+s16] =	stream.indirect_vreg.scatter [tilespmem:s0], [sflag:$0x2], $0x1, v7, vm0, $0x4038;
	v7 =	vsel vm4, $0x0, v8;
	[tilespmem:$0x11A60] =	vst v63  }
0x9e: {  	s2 =	simm.s32 $0x0;
	s22 =	sadd.s32 $0x10, s22;
	vm4 =	vmor vm6, vm5;
	v6 =	vsel vm5, v8, v10;
	v7 =	vshift.insert v7, v0, s21  }
.LBB2_7:
0x9f: {  	v8 =	vld [tilespmem:s22+$0x0];
	s30 =	sadd.s32 $0x10, s30  }
0xa0: {  	s31 =	sadd.s32 $0x10, s31;
	v9 =	vld [tilespmem:s30+$0x0]  }
0xa1: {  	s2 =	sadd.s32 $0x10, s2;
	v10 =	vld [tilespmem:s31+$0x0]  }
0xa2: {  	p2 =	slt.u32 s2, $0x1F30;
	_ =	sdelay $0x2  }
0xa3: {  	v7 =	vadd.f32 v9, v7  }
0xa4: {  	vm5 =	vne.s32 v8, $0xFFFFFFFF  }
0xa5: {  	vm6 =	vmand vm5, vm3;
	(xrf2) =	vadd.seg.scan.f32 vm5, v7;
	_ =	sdelay $0x5  }
0xa6: {  	vm7 =	veq.s32 v8, v5;
	vm5 =	veq.s32 v8, v3  }
0xa7: {  	vm8 =	vgt.u32 v8, $0xFFFFFFFD;
	vm4 =	vmor vm4, vm5;
	vm7 =	vmor vm7, vm5  }
0xa8: {  	vm7 =	vmor vm7, vm8  }
0xa9: {  	v8 =	vsel vm7, $0xFFFFFFFF, v8  }
.Ltmp5:
0xaa: {  	v7 =	vsel vm5, $0x0, v10;
	v9, _, _ =	vpop (xrf2);
	(pc) =	sbr.rel @p2 .LBB2_7-.Ltmp5, $4  }
0xab: {  	v6 =	vsel vm5, v9, v6;
	v10 =	vadd.f32 v9, v7;
	v7 =	vsel vm6, $0x0, v9  }
0xac: {  	s0 =	sadd.s32 $0x10, s0;
	v7 =	vshift.insert v7, v0, s21  }
0xad: {  	s22 =	sadd.s32 $0x10, s22;
	[tilespmem:s0+$0x0] =	vst v10;
	(ifvalue) =	ssetifvalue $0xFFFFFFFF  }
0xae: {  	[hbm4b:s1+s16] =	stream.indirect_vreg.scatter [tilespmem:s0], [sflag:$0x2], $0x1, v8, vm0, $0x4038;
	[tilespmem:$0x11A60] =	vst v63  }
0xaf: {  	v3 =	vld [tilespmem:s29+$0xFAF0];
	_ =	sdelay $0x4  }
0xb0: {  	v3 =	vshift.insert v3, v0, s21  }
0xb1: {  	s0 =	simm.s32 $0x30  }
0xb2: {  	[tilespmem:s0+$0x0] =	vst.msk $0x1, v3  }
0xb3: {  	v3 =	vsel vm4, $0x1, v1;
	[tilespmem:$0x90] =	vst v6  }
0xb4: {  	s0 =	sadd.s32 @!p1 $0xFAFF, s29;
	[tilespmem:$0xA0] =	vst v3  }
0xb5: {  	[spmem:s14] =	stream.linear.scatter @!p1 [tilespmem:s0], [sflag:$0x1], $0x1, $0x38;
	[tilespmem:$0x11A60] =	vst v63  }
0xb6: {  	s0 =	simm.s32 @!p1 $0x1  }
0xb7: {  	v3 =	vmctz.xlane @!p1 vm4;
	_ =	swait.ge @!p1 [sflag:s0], $0x1  }
0xb8: {  	(v2sf) =	vpush @!p1 v4, $0x0  }
0xb9: {  	(v2sf) =	vpush @!p1 v3, $0x0;
	_ =	sdelay $0xd  }
0xba: {  	s2 =	spop @!p1 (v2sf)  }
0xbb: {  	s22 =	spop @!p1 (v2sf)  }
0xbc: {  	p2 =	sne.s32 @!p1 s28, s2;
	p3 =	slt.s32 @!p1 s22, $0xF  }
0xbd: {  	[sflag:s0] =	ssyncset.done @!p1 $0x0;
	p2 =	por p2, p1;
	p3 =	por !p3, p1  }
0xbe: {  	[sflag:s0] =	ssyncadd.s32 @!p1 $0xFFFFFFFF;
	v3 =	vimm.s32 @!p2 $0xFFFFFFFF;
	s22 =	simm.s32 @p3 $0xF  }
0xbf: {  	[tilespmem:$0x80] =	vst @!p2 v3;
	s2 =	sadd.s32 @!p1 $0x90, s22  }
0xc0: {  	[spmem:s10] =	stream.linear.scatter @!p1 [tilespmem:s2], [sflag:$0x1], $0x1, $0x38;
	[tilespmem:$0x11A60] =	vst v63  }
0xc1: {  	_ =	swait.ge @!p1 [sflag:s0], $0x1  }
0xc2: {  	[sflag:s0] =	ssyncset.done @!p1 $0x0  }
0xc3: {  	s2 =	simm.s32 @!p1 $0x80;
	[sflag:s0] =	ssyncadd.s32 @!p1 $0xFFFFFFFF  }
0xc4: {  	[spmem:s15] =	stream.linear.scatter @!p1 [tilespmem:s2], [sflag:$0x1], $0x1, $0x38;
	[tilespmem:$0x11A60] =	vst v63  }
0xc5: {  	_ =	swait.ge @!p1 [sflag:s0], $0x1  }
0xc6: {  	[sflag:s0] =	ssyncset.done @!p1 $0x0  }
0xc7: {  	[sflag:s0] =	ssyncadd.s32 @!p1 $0xFFFFFFFF;
	(ifvalue) =	ssetifvalue $0xFFFFFFFF;
	v3 =	vld [tilespmem:s25+$0x10];
	_ =	sdelay $0x3  }
.Ltmp6:
0xc8: {  	_ = 	snop;
	(pc) =	sbr.rel .LBB2_9-.Ltmp6, $3  }
0xc9: {  	_ =	sdelay $0x1  }
0xca: {  	(ifvalue) =	ssetifvalue $0xFFFFFFFF  }
0xcb: {  	[hbm4b:s1+s16] =	stream.indirect_vreg.scatter [tilespmem:s26], [sflag:$0x9], $0x1, v3, vm0, $0x4038;
	[tilespmem:$0x11A60] =	vst v63  }
.LBB2_10:
0xcc: {  	_ =	sfence.sel $0x180000  }
0xcd: {  	s0 =	simm.s32 $0x7;
	[bflag:$0x0] =	sbarrier.arrive $0xFFFF  }
0xce: {  	s26 =	simm.s32 $0x8;
	[sflag:s0] =	ssyncpa.u1 $0x1  }
0xcf: {  	s28 =	simm.s32 $0x9;
	[sflag:s26] =	ssyncpa.u1 $0x1  }
0xd0: {  	[sflag:s28] =	ssyncpa.u1 $0x1  }
0xd1: {  	_ =	sfence.stream.spmem  }
0xd2: {  	s29 =	simm.s32 $0x3;
	[bflag:$0x0] =	sbarrier.arrive $0xFFFF  }
0xd3: {  	s30 =	simm.s32 $0x4;
	[sflag:s29] =	ssyncpa.u1 $0x1  }
0xd4: {  	s31 =	simm.s32 $0x3C;
	s2 =	stileid.u32;
	[sflag:s30] =	ssyncpa.u1 $0x1  }
0xd5: {  	p0 =	sne.s32 s2, $0x0;
	[sflag:s31] =	ssyncpa.u1 $0x1  }
0xd6: {  	s0 =	simm.s32 @p0 $0x1;
	_ =	sfence @p0  }
0xd7: {  	[sflag:s0] =	ssyncpa.u1 @p0 $0x1;
	s0 =	simm.s32 @p0 $0x2  }
0xd8: {  	[sflag:s0] =	ssyncpa.u1 @p0 $0x1  }
0xd9: {  	_ =	strace @p0 $0x9000004A  }
0xda: {  	[bflag:$0x2] =	sbarrier.arrive @p0 $0xFFFF  }
0xdb: {  	_ =	shalt @p0  }
.LBB2_11:
0xdc: {  	_ =	sfence.stream.spmem;
	s0 =	simm.s32 $0x5  }
0xdd: {  	s2 =	simm.s32 $0x80;
	s3 =	simm.s32 $0xC0;
	[sflag:s0] =	ssyncpa.u1 $0x0  }
0xde: {  	[tilespmem:s3], [sflag:$0x5] =	stream.linear.gather [spmem:s2], $0x20, $0x38;
	[tilespmem:$0x11A60] =	vst v63  }
0xdf: {  	s2 =	simm.s32 $0x0;
	s3 =	simm.s32 $0xE0  }
0xe0: {  	[tilespmem:s3], [sflag:$0x5] =	stream.linear.gather [spmem:s2], $0x20, $0x38;
	[tilespmem:$0x11A60] =	vst v63  }
.Ltmp7:
0xe1: {  	_ = 	snop;
	(pc) =	sbr.rel .LBB2_12-.Ltmp7, $4  }
0xe2: {  	_ =	swait.ge [sflag:s0], $0x40  }
0xe3: {  	[sflag:s0] =	ssyncset.done $0x0  }
0xe4: {  	s31 =	simm.s32 $0x6;
	[sflag:s0] =	ssyncadd.s32 $0xFFFFFFC0  }
0xe5: {  	s4 =	simm.s32 $0x0;
	[sflag:s31] =	ssyncpa.u1 $0x0  }
.LBB2_17:
0xe6: {  	p0 =	sgt.u32 s5, $0x27FF  }
0xe7: {  	s0 =	sshrl.u32 @!p0 s5, $0x3  }
0xe8: {  	s5 =	sand.u32 @!p0 $0x7, s5;
	s6 =	simm.s32 @!p0 $0xB0;
	s0 =	sadd.s32 @!p0 s1, s0  }
0xe9: {  	[tilespmem:s6], [sflag:$0x6] =	stream.linear.gather @!p0 [hbm4b:s0+s5], $0x1, $0x38;
	[tilespmem:$0x11A60] =	vst v63  }
0xea: {  	s0 =	simm.s32 @!p0 $0x6  }
0xeb: {  	_ =	swait.ge @!p0 [sflag:s0], $0x1  }
0xec: {  	[sflag:s0] =	ssyncset.done @!p0 $0x0  }
0xed: {  	[sflag:s0] =	ssyncadd.s32 @!p0 $0xFFFFFFFF  }
0xee: {  	v2 =	vmov @!p0 s4;
	v1 =	vld.msk @!p0 [tilespmem:$0xB0], $0x1;
	_ =	sdelay $0x3  }
0xef: {  	s0 =	simm.s32 @!p0 $0xE0  }
0xf0: {  	[tilespmem:v2+s0+$0x0], v1 =	vst.idx.ret.add.f32.msk @!p0 $0x1, v1  }
0xf1: {  	[tilespmem:s2+$0xC0] =	vst.msk $0x1, v0  }
0xf2: {  	v0 =	vld.msk [tilespmem:s4+$0xE0], $0x1;
	_ =	sdelay $0x4  }
0xf3: {  	[tilespmem:s2+$0xE0] =	vst.msk $0x1, v0;
	s2 =	sadd.s32 $0x1, s2  }
.LBB2_19:
0xf4: {  	s4 =	sadd.s32 $0x1, s4  }
0xf5: {  	p0 =	sne.s32 s4, $0x20  }
.Ltmp8:
0xf6: {  	_ = 	snop;
	(pc) =	sbr.rel @!p0 .LBB2_20-.Ltmp8, $1  }
0xf7: {  	_ =	sdelay $0x3  }
.LBB2_12:
0xf8: {  	v0 =	vld.msk [tilespmem:s4+$0xC0], $0x1;
	_ =	sdelay $0x4  }
0xf9: {  	(v2sf) =	vpush v0, $0x0;
	_ =	sdelay $0xe  }
0xfa: {  	s5 =	spop (v2sf)  }
0xfb: {  	p0 =	seq.s32 s5, $0xFFFFFFFF  }
.Ltmp9:
0xfc: {  	_ = 	snop;
	(pc) =	sbr.rel @p0 .LBB2_19-.Ltmp9, $1  }
0xfd: {  	_ =	sdelay $0x3  }
0xfe: {  	p0 =	slt.s32 s2, $0x1  }
.Ltmp10:
0xff: {  	_ = 	snop;
	(pc) =	sbr.rel @p0 .LBB2_17-.Ltmp10, $1  }
0x100: {  	_ =	sdelay $0x3  }
0x101: {  	s0 =	simm.s32 $0xC0;
	p0 =	por $0x0, $0x0  }
0x102: {  	v1 =	vld.msk @!p0 [tilespmem:s0+$0x0], $0x1;
	_ =	sdelay $0x4  }
0x103: {  	(v2sf) =	vpush @!p0 v1, $0x0;
	_ =	sdelay $0xd  }
0x104: {  	p2 =	sne.s32 s2, $0x1  }
.Ltmp11:
0x105: {  	s6 =	spop @!p0 (v2sf);
	(pc) =	sbr.rel @!p2 .LBB2_16-.Ltmp11, $4  }
0x106: {  	p1 =	seq.s32 @!p0 s5, s6  }
0x107: {  	s6 =	simm.s32 $0x0;
	p1 =	por !p1, p0  }
0x108: {  	s8 =	simm.s32 $0xFFFFFFFF;
	s6 =	simm.s32 @p1 $0xFFFFFFFF  }
0x109: {  	s7 =	simm.s32 $0x1;
	s6 =	smov.u32 @p0 s8  }
.LBB2_15:
0x10a: {  	s8 =	smov.u32 s6;
	p0 =	sne.s32 s6, $0xFFFFFFFF  }
0x10b: {  	s0 =	sadd.s32 $0x1, s0;
	s6 =	smov.u32 s7;
	s7 =	sadd.s32 $0x1, s7  }
0x10c: {  	p1 =	sne.s32 s2, s7;
	v1 =	vld.msk @!p0 [tilespmem:s0+$0x0], $0x1;
	_ =	sdelay $0x4  }
0x10d: {  	(v2sf) =	vpush @!p0 v1, $0x0;
	_ =	sdelay $0xe  }
.Ltmp12:
0x10e: {  	s9 =	spop @!p0 (v2sf);
	(pc) =	sbr.rel @p1 .LBB2_15-.Ltmp12, $4  }
0x10f: {  	p2 =	seq.s32 @!p0 s5, s9  }
0x110: {  	p2 =	por !p2, p0  }
0x111: {  	s6 =	simm.s32 @p2 $0xFFFFFFFF  }
0x112: {  	s6 =	smov.u32 @p0 s8  }
.LBB2_16:
0x113: {  	p0 =	sne.s32 s6, $0xFFFFFFFF  }
.Ltmp13:
0x114: {  	_ = 	snop;
	(pc) =	sbr.rel @!p0 .LBB2_17-.Ltmp13, $1  }
0x115: {  	_ =	sdelay $0x3  }
0x116: {  	v0 =	vld.msk [tilespmem:s4+$0xE0], $0x1;
	v1 =	vmov s6  }
.Ltmp14:
0x117: {  	_ = 	snop;
	(pc) =	sbr.rel .LBB2_19-.Ltmp14, $2  }
0x118: {  	_ =	sdelay $0x2  }
0x119: {  	[tilespmem:v1+s3+$0x0], v0 =	vst.idx.ret.add.f32.msk $0x1, v0  }
.LBB2_20:
0x11a: {  	p0 =	slt.s32 s2, $0x1  }
.Ltmp15:
0x11b: {  	_ = 	snop;
	(pc) =	sbr.rel @p0 .LBB2_24-.Ltmp15, $3  }
0x11c: {  	_ =	sdelay $0x1  }
0x11d: {  	s0 =	simm.s32 $0x6  }
0x11e: {  	s3 =	simm.s32 $0x0;
	[sflag:s0] =	ssyncpa.u1 $0x1  }
0x11f: {  	s0 =	simm.s32 $0xC0  }
0x120: {  	v0 =	vld.msk [tilespmem:s0+$0x0], $0x1;
	_ =	sdelay $0x4  }
0x121: {  	(v2sf) =	vpush v0, $0x0;
	_ =	sdelay $0xe  }
0x122: {  	s2 =	sadd.s32 $0xFFFFFFFF, s2;
	s4 =	spop (v2sf)  }
0x123: {  	p1 =	sne.s32 s2, $0x0;
	p0 =	sgt.u32 s4, $0x27FF  }
.Ltmp16:
0x124: {  	s5 =	sshrl.u32 @!p0 s4, $0x3;
	(pc) =	sbr.rel @!p1 .LBB2_23-.Ltmp16, $4  }
0x125: {  	s0 =	simm.s32 $0xE0;
	s4 =	sand.u32 @!p0 $0x7, s4;
	s5 =	sadd.s32 @!p0 s1, s5  }
0x126: {  	[hbm4b:s5+s4] =	stream.linear.scatter @!p0 [tilespmem:s0], [sflag:$0x5], $0x1, $0x38;
	[tilespmem:$0x11A60] =	vst v63  }
0x127: {  	s5 =	simm.s32 $0x0  }
0x128: {  	s4 =	simm.s32 $0xC1;
	s5 =	simm.s32 @!p0 $0x4  }
.LBB2_22:
0x129: {  	v0 =	vld.msk [tilespmem:s4+$0x0], $0x1;
	s2 =	sadd.s32 $0xFFFFFFFF, s2;
	s3 =	sadd.s32 s3, s5  }
0x12a: {  	p0 =	sne.s32 s2, $0x0;
	_ =	sdelay $0x3  }
0x12b: {  	(v2sf) =	vpush v0, $0x0;
	_ =	sdelay $0xe  }
.Ltmp17:
0x12c: {  	s6 =	spop (v2sf);
	(pc) =	sbr.rel @p0 .LBB2_22-.Ltmp17, $4  }
0x12d: {  	s5 =	simm.s32 $0x0;
	p1 =	sgt.u32 s6, $0x27FF  }
0x12e: {  	s0 =	sadd.s32 $0x1, s0;
	s5 =	simm.s32 @!p1 $0x4;
	s7 =	sshrl.u32 @!p1 s6, $0x3  }
0x12f: {  	s4 =	sadd.s32 $0x1, s4;
	s6 =	sand.u32 @!p1 $0x7, s6;
	s7 =	sadd.s32 @!p1 s1, s7  }
0x130: {  	[hbm4b:s7+s6] =	stream.linear.scatter @!p1 [tilespmem:s0], [sflag:$0x5], $0x1, $0x38;
	[tilespmem:$0x11A60] =	vst v63  }
.LBB2_23:
0x131: {  	s0 =	sadd.s32 s3, s5  }
0x132: {  	s3 =	sshrl.u32 s0, $0x2  }
.LBB2_24:
0x133: {  	s0 =	simm.s32 $0x5  }
0x134: {  	_ =	swait.ge [sflag:s0], s3  }
0x135: {  	s1 =	ssub.s32 $0x0, s3;
	[sflag:s0] =	ssyncset.done $0x0  }
0x136: {  	[sflag:s0] =	ssyncadd.s32 s1  }
0x137: {  	[sflag:s0] =	ssyncpa.u1 $0x1  }
0x138: {  	s29 =	simm.s32 $0x1;
	_ =	sfence  }
0x139: {  	s30 =	simm.s32 $0x2;
	[sflag:s29] =	ssyncpa.u1 $0x1  }
0x13a: {  	[sflag:s30] =	ssyncpa.u1 $0x1  }
0x13b: {  	_ =	strace $0x9000004A  }
0x13c: {  	[bflag:$0x2] =	sbarrier.arrive $0xFFFF  }
0x13d: {  	s31 =	rddreg [dreg:$0x1]  }
0x13e: {  	s0 =	sadd.s32 $0x100000, s31  }
0x13f: {  	[sflag:s0] =	ssyncadd.tile.s32 $0x1;
	_ =	shalt  }
.Lfunc_end2:
_tile_overlayer_lowered:
.L_overlay_start_2:
0x140: {  	(tag) =	ssettag $0x2  }
0x141: {  	s0 =	rddreg [dreg:$0x0];
	s2 =	stileid.u32  }
0x142: {  	s1 =	rddreg [dreg:$0x1];
	p0 =	sne.s32 s2, $0x0  }
0x143: {  	s3 =	rddreg [dreg:$0x2];
	[bflag:$0x3] =	sbarrier.arrive $0xFFFF;
	s2 =	simm.s32 @!p0 $0x1C01  }
0x144: {  	[timem:s3], [sflag:s2] =	dma.local @!p0 [hbm:s0], s1  }
0x145: {  	s0 =	simm.s32 @!p0 $0x1  }
0x146: {  	_ =	swait.ge @!p0 [sflag:s0], s1  }
0x147: {  	s1 =	ssub.s32 @!p0 $0x0, s1;
	[sflag:s0] =	ssyncset.done @!p0 $0x0  }
0x148: {  	[sflag:s0] =	ssyncadd.s32 @!p0 s1  }
0x149: {  	[bflag:$0x3] =	sbarrier.arrive $0xFFFF  }
0x14a: {  	_ =	shalt  }

</sc_bundles>
